<compile_context>
chip_gen: v7x
topology: tpu7x:2x2x1
jax: 0.10.2.dev20260603
libtpu: 0.0.44.dev20260713+nightly
codegen_flags: <defaults>
</compile_context>

<pallas_src>
import functools

import jax
import jax.numpy as jnp
from jax import lax
from jax.experimental import pallas as pl
from jax.experimental.pallas import tpu as pltpu
from jax.experimental.pallas import tpu_sc as plsc

_NC = 2
_NS = 16
_L = 16
_C = 40


def _tables_body(hidden_ref, rela_ref, ws_ref, wr_ref, wqr_ref, bqr_ref,
                 ga_ref, gr_ref, ct_ref):
    h = hidden_ref[...]
    d = h.shape[1]
    ga_ref[:, :d] = h
    ga_ref[:, d:] = jnp.dot(h, ws_ref[...], preferred_element_type=jnp.float32)
    r = rela_ref[...]
    gr_ref[:, :d] = r
    gr_ref[:, d:] = jnp.dot(r, wr_ref[...], preferred_element_type=jnp.float32)
    ct_ref[...] = (jnp.dot(r, wqr_ref[...], preferred_element_type=jnp.float32)
                   + bqr_ref[...])


def _final_body(part_ref, wh_ref, out_ref):
    agg = part_ref[0] + part_ref[1]
    out_ref[...] = jnp.dot(agg, wh_ref[...], preferred_element_type=jnp.float32)


def _sc_body(n_node, n_chunks, ga, gr, ct, qrel, idx4, wv, binit,
             alpha_out, part_out,
             wv_v, binit_v, idx4_v, qidx_v,
             ga_v, gr_v, ct_v, alpha_v, acc,
             sem0, sem1, sem2):
    cid = lax.axis_index("c")
    sid = lax.axis_index("s")
    wid = sid * _NC + cid
    ebase = wid * n_chunks

    pltpu.sync_copy(wv, wv_v)
    pltpu.sync_copy(binit, binit_v)

    rbig = 640
    rlast = n_node - (_NS - 1) * rbig
    rbase = sid * rbig

    def _zrow(i, _):
        ct_v[i // 8, pl.ds((i % 8) * _L, _L)] = jnp.zeros((_L,), jnp.float32)
        return 0
    lax.fori_loop(0, _C * 8, _zrow, 0)

    def _zacc(k, _):
        pltpu.sync_copy(ct_v.at[pl.ds(0, _C)],
                        acc.at[pl.ds(rbase + k * _C, _C)])
        return 0

    @pl.when(sid < _NS - 1)
    def _():
        lax.fori_loop(0, rbig // _C, _zacc, 0)

    @pl.when(sid == _NS - 1)
    def _():
        lax.fori_loop(0, rlast // _C, _zacc, 0)
    plsc.subcore_barrier()

    wregs = [wv_v[pl.ds(j * _L, _L)] for j in range(8)]
    b0 = binit_v[...]
    lane0 = lax.iota(jnp.int32, _L) == 0

    def _chunk(i, _):
        chunk_id = ebase + i
        base = chunk_id * _C
        pltpu.sync_copy(idx4.at[chunk_id], idx4_v)
        cpq = pltpu.async_copy(qrel.at[idx4_v.at[2]], qidx_v, sem2)
        cp0 = pltpu.async_copy(ga.at[idx4_v.at[0]], ga_v, sem0)
        cp1 = pltpu.async_copy(gr.at[idx4_v.at[1]], gr_v, sem1)
        cpq.wait()
        cp2 = pltpu.async_copy(ct.at[qidx_v], ct_v, sem2)
        cp0.wait()
        cp1.wait()
        cp2.wait()

        def _edge(e, _c):
            accv = b0
            for j in range(8):
                a = ga_v[e, pl.ds(128 + j * _L, _L)]
                g = gr_v[e, pl.ds(128 + j * _L, _L)]
                q = ct_v[e, pl.ds(j * _L, _L)]
                t = jnp.maximum(a + g + q, 0.0)
                accv = accv + t * wregs[j]
            s = jnp.sum(accv)
            av = jnp.broadcast_to(s, (_L,))
            av = 1.0 / (1.0 + jnp.exp(-av))
            plsc.store_scatter(alpha_v, [jnp.broadcast_to(e, (_L,))], av,
                               mask=lane0)
            for j in range(8):
                h = ga_v[e, pl.ds(j * _L, _L)]
                r = gr_v[e, pl.ds(j * _L, _L)]
                ct_v[e, pl.ds(j * _L, _L)] = av * (h + r)
            return 0
        lax.fori_loop(0, _C, _edge, 0)

        pltpu.sync_copy(ct_v, acc.at[idx4_v.at[3]], add=True)
        pltpu.sync_copy(alpha_v, alpha_out.at[pl.ds(base, _C)])
        return 0
    lax.fori_loop(0, n_chunks, _chunk, 0)

    plsc.subcore_barrier()

    @pl.when(sid < _NS - 1)
    def _():
        pltpu.sync_copy(acc.at[pl.ds(rbase, rbig)],
                        part_out.at[cid, pl.ds(rbase, rbig)])

    @pl.when(sid == _NS - 1)
    def _():
        pltpu.sync_copy(acc.at[pl.ds(rbase, rlast)],
                        part_out.at[cid, pl.ds(rbase, rlast)])


def kernel(q_sub, q_rel, hidden, edges, nodes, id_layer, n_layer,
           old_nodes_new_idx, rela_embed, Ws_attn, Wr_attn, Wqr_attn_W,
           Wqr_attn_b, w_alpha_W, w_alpha_b, W_h):
    n_node, in_dim = hidden.shape
    vocab = rela_embed.shape[0]
    n_edge = edges.shape[0]
    n_workers = _NC * _NS
    assert n_edge % (n_workers * _C) == 0
    n_chunks = n_edge // (n_workers * _C)

    vp = -(-vocab // 8) * 8
    rela_p = jnp.concatenate(
        [rela_embed, jnp.zeros((vp - vocab, in_dim), jnp.float32)], axis=0)

    ga, gr, ct = pl.pallas_call(
        _tables_body,
        out_shape=[
            jax.ShapeDtypeStruct((n_node, 2 * in_dim), jnp.float32),
            jax.ShapeDtypeStruct((vp, 2 * in_dim), jnp.float32),
            jax.ShapeDtypeStruct((vp, in_dim), jnp.float32),
        ],
    )(hidden, rela_p, Ws_attn, Wr_attn, Wqr_attn_W, Wqr_attn_b.reshape(1, -1))

    idx4 = jnp.stack([edges[:, 4], edges[:, 2], edges[:, 0], edges[:, 5]])
    idx4 = (idx4.astype(jnp.int32)
            .reshape(4, n_edge // _C, _C).transpose(1, 0, 2))
    wv = w_alpha_W[:, 0]
    binit = jnp.zeros((_L,), jnp.float32).at[0].set(w_alpha_b[0])

    mesh = plsc.VectorSubcoreMesh(core_axis_name="c", subcore_axis_name="s",
                                  num_cores=_NC, num_subcores=_NS)
    sc = pl.kernel(
        functools.partial(_sc_body, n_node, n_chunks),
        out_type=[
            jax.ShapeDtypeStruct((n_edge,), jnp.float32),
            jax.ShapeDtypeStruct((_NC, n_node, in_dim), jnp.float32),
        ],
        mesh=mesh,
        compiler_params=pltpu.CompilerParams(needs_layout_passes=False),
        scratch_types=[
            pltpu.VMEM((in_dim,), jnp.float32),
            pltpu.VMEM((_L,), jnp.float32),
            pltpu.VMEM((4, _C), jnp.int32),
            pltpu.VMEM((_C,), jnp.int32),
            pltpu.VMEM((_C, 2 * in_dim), jnp.float32),
            pltpu.VMEM((_C, 2 * in_dim), jnp.float32),
            pltpu.VMEM((_C, in_dim), jnp.float32),
            pltpu.VMEM((_C,), jnp.float32),
            pltpu.VMEM_SHARED((n_node, in_dim), jnp.float32),
            pltpu.SemaphoreType.DMA,
            pltpu.SemaphoreType.DMA,
            pltpu.SemaphoreType.DMA,
        ],
    )
    alpha_flat, part = sc(ga, gr, ct, q_rel.astype(jnp.int32), idx4, wv, binit)

    hidden_new = pl.pallas_call(
        _final_body,
        out_shape=jax.ShapeDtypeStruct((n_node, W_h.shape[1]), jnp.float32),
    )(part, W_h)

    alpha = alpha_flat.reshape(n_edge, 1)
    sampled_nodes_idx = (nodes[:, 1] > -1) & (nodes[:, 1] < n_node + 1)
    final_nodes = jnp.array([0], dtype=nodes.dtype)
    return (hidden_new, nodes, final_nodes, old_nodes_new_idx,
            sampled_nodes_idx, alpha, edges)

# --- scband reference (transcript-rebuilt; emitter-appended) ---
"""Pipeline reference for scband-gnnlayer-34840774705589 (READ-ONLY COPY).

The authoritative reference and input builder live on the scoring server;
editing this copy changes nothing except your own understanding.
"""

import jax, jax.numpy as jnp
import numpy as np

N_NODE = 10000
N_REL = 5000
IN_DIM = 128
OUT_DIM = 128
ATTN_DIM = 128
VOCAB = 2 * N_REL + 3
B = 10000
E = 320000


def setup_inputs(seed: int = 0) -> dict:
    key = jax.random.key(seed)
    ks = jax.random.split(key, 12)
    scale = 0.05
    inp = {}
    inp["q_sub"] = jax.random.randint(ks[0], (B,), 0, N_NODE)
    inp["q_rel"] = jax.random.randint(ks[1], (B,), 0, VOCAB)
    inp["hidden"] = jax.random.normal(ks[2], (N_NODE, IN_DIM), dtype=jnp.float32)
    inp["edges"] = jax.random.randint(ks[3], (E, 6), 0, N_NODE)
    inp["nodes"] = jax.random.randint(ks[4], (N_NODE, 2), 0, N_NODE)
    inp["id_layer"] = 0
    inp["n_layer"] = 3
    inp["old_nodes_new_idx"] = jax.random.randint(ks[5], (5000,), 0, N_NODE)
    inp["rela_embed"] = jax.random.normal(ks[6], (VOCAB, IN_DIM), dtype=jnp.float32) * scale
    inp["Ws_attn"] = jax.random.normal(ks[7], (IN_DIM, ATTN_DIM), dtype=jnp.float32) * scale
    inp["Wr_attn"] = jax.random.normal(ks[8], (IN_DIM, ATTN_DIM), dtype=jnp.float32) * scale
    inp["Wqr_attn_W"] = jax.random.normal(ks[9], (IN_DIM, ATTN_DIM), dtype=jnp.float32) * scale
    inp["Wqr_attn_b"] = jnp.zeros((ATTN_DIM,), dtype=jnp.float32)
    inp["w_alpha_W"] = jax.random.normal(ks[10], (ATTN_DIM, 1), dtype=jnp.float32) * scale
    inp["w_alpha_b"] = jnp.zeros((1,), dtype=jnp.float32)
    inp["W_h"] = jax.random.normal(ks[11], (IN_DIM, OUT_DIM), dtype=jnp.float32) * scale
    return inp


def reference(q_sub, q_rel, hidden, edges, nodes, id_layer, n_layer, old_nodes_new_idx,
              rela_embed, Ws_attn, Wr_attn, Wqr_attn_W, Wqr_attn_b, w_alpha_W, w_alpha_b, W_h):
    # id_layer == 0 and n_layer == 3: skip the PPR/variadic_topk pruning branch
    # (id_layer > 0 and < n_layer-1) and the final-layer item filtering branch.
    sampled_nodes_idx = (nodes[:, 1] > -1) & (nodes[:, 1] < N_NODE + 1)
    t_nodes = nodes
    final_nodes = jnp.array([0], dtype=nodes.dtype)
    sub = edges[:, 4]
    rel = edges[:, 2]
    obj = edges[:, 5]
    hs = jnp.take(hidden, sub, axis=0)
    hr = jnp.take(rela_embed, rel, axis=0)
    r_idx = edges[:, 0]
    h_qr = jnp.take(jnp.take(rela_embed, q_rel, axis=0), r_idx, axis=0)
    message = hs + hr
    pre = jax.nn.relu(hs @ Ws_attn + hr @ Wr_attn + (h_qr @ Wqr_attn_W + Wqr_attn_b))
    alpha = jax.nn.sigmoid(pre @ w_alpha_W + w_alpha_b)
    message = alpha * message
    message_agg = jax.ops.segment_sum(message, obj, num_segments=nodes.shape[0])
    hidden_new = message_agg @ W_h  # act is identity (default lambda x: x)
    return (hidden_new, t_nodes, final_nodes, old_nodes_new_idx, sampled_nodes_idx, alpha, edges)

if __name__ == "__main__":
    import jax
    _d = setup_inputs()
    print(jax.jit(kernel)(*tuple(_d.values())))

</pallas_src>

<mosaic_0001>
#map = affine_map<(d0, d1) -> (0, 0)>
#map1 = affine_map<(d0, d1) -> (0)>
#map2 = affine_map<(d0, d1) -> (0, 0, 0)>
module attributes {stable_mosaic.version = 14 : i64} {
  func.func @_sc_body(%arg0: i32, %arg1: i32, %arg2: memref<10000x256xf32, #tpu.memory_space<hbm>>, %arg3: memref<10008x256xf32, #tpu.memory_space<hbm>>, %arg4: memref<10008x128xf32, #tpu.memory_space<hbm>>, %arg5: memref<10000xi32, #tpu.memory_space<hbm>>, %arg6: memref<8000x4x40xi32, #tpu.memory_space<hbm>>, %arg7: memref<128xf32, #tpu.memory_space<hbm>>, %arg8: memref<16xf32, #tpu.memory_space<hbm>>, %arg9: memref<320000xf32, #tpu.memory_space<hbm>>, %arg10: memref<2x10000x128xf32, #tpu.memory_space<hbm>>, %arg11: memref<128xf32, #tpu.memory_space<vmem>>, %arg12: memref<16xf32, #tpu.memory_space<vmem>>, %arg13: memref<4x40xi32, #tpu.memory_space<vmem>>, %arg14: memref<40xi32, #tpu.memory_space<vmem>>, %arg15: memref<40x256xf32, #tpu.memory_space<vmem>>, %arg16: memref<40x256xf32, #tpu.memory_space<vmem>>, %arg17: memref<40x128xf32, #tpu.memory_space<vmem>>, %arg18: memref<40xf32, #tpu.memory_space<vmem>>, %arg19: memref<10000x128xf32, #tpu.memory_space<vmem_shared>>, %arg20: memref<!tpu.dma_semaphore, #tpu.memory_space<semaphore_mem>>, %arg21: memref<!tpu.dma_semaphore, #tpu.memory_space<semaphore_mem>>, %arg22: memref<!tpu.dma_semaphore, #tpu.memory_space<semaphore_mem>>) attributes {dimension_semantics = [#tpu.dimension_semantics<core_parallel>, #tpu.dimension_semantics<subcore_parallel>], iteration_bounds = array<i64: 2, 16>, scalar_prefetch = 0 : i64, scratch_operands = 12 : i64, tpu.core_type = #tpu.core_type<sc_vector_subcore>, window_params = [{transform_indices = #map}, {transform_indices = #map}, {transform_indices = #map}, {transform_indices = #map1}, {transform_indices = #map2}, {transform_indices = #map1}, {transform_indices = #map1}, {transform_indices = #map1}, {transform_indices = #map2}]} {
    %mul3A = arith.constant 2 : i32
    %mul3A_0 = arith.muli %arg1, %mul3A : i32
    %add3A = arith.addi %mul3A_0, %arg0 : i32
    %mul3A_1 = arith.constant 250 : i32
    %mul3A_2 = arith.muli %add3A, %mul3A_1 : i32
    "tpu.region"() ({
      %run_scoped3A = tpu.sem_alloc : memref<!tpu.dma_semaphore, #tpu.memory_space<semaphore_mem>>
      tpu.enqueue_dma source(%arg7 : memref<128xf32, #tpu.memory_space<hbm>>) target(%arg11 : memref<128xf32, #tpu.memory_space<vmem>>) target_semaphore(%run_scoped3A : memref<!tpu.dma_semaphore, #tpu.memory_space<semaphore_mem>>)
      tpu.wait_dma2 semaphore(%run_scoped3A : memref<!tpu.dma_semaphore, #tpu.memory_space<semaphore_mem>>) src(%arg7 : memref<128xf32, #tpu.memory_space<hbm>>) dst(%arg11 : memref<128xf32, #tpu.memory_space<vmem>>)
      tpu.yield
    }) : () -> ()
    "tpu.region"() ({
      %run_scoped3A = tpu.sem_alloc : memref<!tpu.dma_semaphore, #tpu.memory_space<semaphore_mem>>
      tpu.enqueue_dma source(%arg8 : memref<16xf32, #tpu.memory_space<hbm>>) target(%arg12 : memref<16xf32, #tpu.memory_space<vmem>>) target_semaphore(%run_scoped3A : memref<!tpu.dma_semaphore, #tpu.memory_space<semaphore_mem>>)
      tpu.wait_dma2 semaphore(%run_scoped3A : memref<!tpu.dma_semaphore, #tpu.memory_space<semaphore_mem>>) src(%arg8 : memref<16xf32, #tpu.memory_space<hbm>>) dst(%arg12 : memref<16xf32, #tpu.memory_space<vmem>>)
      tpu.yield
    }) : () -> ()
    %mul3A_3 = arith.constant 640 : i32
    %mul3A_4 = arith.muli %arg1, %mul3A_3 : i32
    %scan3A = arith.constant 0 : i32
    %scan3A_5 = arith.constant 0 : i32
    %scan3A_6 = arith.constant 320 : i32
    %scan3A_7 = arith.addi %scan3A_5, %scan3A_6 : i32
    %scan3A_8 = arith.constant 1 : i32
    %scan3A_9 = scf.for %scan3A_55 = %scan3A_5 to %scan3A_7 step %scan3A_8 iter_args(%scan3A_56 = %scan3A) -> (i32)  : i32 {
      %broadcast_in_dim3A = arith.constant 0.000000e+00 : f32
      %broadcast_in_dim3A_57 = vector.broadcast %broadcast_in_dim3A : f32 to vector<16xf32>
      %jit3A = arith.constant 8 : i32
      %div3A = arith.divsi %scan3A_55, %jit3A : i32
      %sign3A = arith.constant 0 : i32
      %sign3A_58 = arith.cmpi sgt, %scan3A_55, %sign3A : i32
      %sign3A_59 = arith.extui %sign3A_58 : i1 to i32
      %sign3A_60 = arith.constant 0 : i32
      %sign3A_61 = arith.cmpi slt, %scan3A_55, %sign3A_60 : i32
      %sign3A_62 = arith.extui %sign3A_61 : i1 to i32
      %sign3A_63 = arith.subi %sign3A_59, %sign3A_62 : i32
      %sign3A_64 = arith.constant 0 : i32
      %sign3A_65 = arith.cmpi sgt, %jit3A, %sign3A_64 : i32
      %sign3A_66 = arith.extui %sign3A_65 : i1 to i32
      %sign3A_67 = arith.constant 0 : i32
      %sign3A_68 = arith.cmpi slt, %jit3A, %sign3A_67 : i32
      %sign3A_69 = arith.extui %sign3A_68 : i1 to i32
      %sign3A_70 = arith.subi %sign3A_66, %sign3A_69 : i32
      %ne3A = arith.cmpi ne, %sign3A_63, %sign3A_70 : i32
      %rem3A = arith.remsi %scan3A_55, %jit3A : i32
      %ne3A_71 = arith.constant 0 : i32
      %ne3A_72 = arith.cmpi ne, %rem3A, %ne3A_71 : i32
      %and3A = arith.andi %ne3A, %ne3A_72 : i1
      %sub3A = arith.constant 1 : i32
      %sub3A_73 = arith.subi %div3A, %sub3A : i32
      %select_n3A = arith.select %and3A, %sub3A_73, %div3A : i32
      %jit3A_74 = arith.constant 8 : i32
      %eq3A_75 = arith.constant 0 : i32
      %eq3A_76 = arith.cmpi eq, %jit3A_74, %eq3A_75 : i32
      %jit3A_77 = arith.constant 1 : i32
      %select_n3A_78 = arith.select %eq3A_76, %jit3A_77, %jit3A_74 : i32
      %rem3A_79 = arith.remsi %scan3A_55, %select_n3A_78 : i32
      %ne3A_80 = arith.constant 0 : i32
      %ne3A_81 = arith.cmpi ne, %rem3A_79, %ne3A_80 : i32
      %lt3A_82 = arith.constant 0 : i32
      %lt3A_83 = arith.cmpi slt, %rem3A_79, %lt3A_82 : i32
      %lt3A_84 = arith.constant 0 : i32
      %lt3A_85 = arith.cmpi slt, %select_n3A_78, %lt3A_84 : i32
      %ne3A_86 = arith.xori %lt3A_83, %lt3A_85 : i1
      %and3A_87 = arith.andi %ne3A_86, %ne3A_81 : i1
      %add3A_88 = arith.addi %rem3A_79, %select_n3A_78 : i32
      %select_n3A_89 = arith.select %and3A_87, %add3A_88, %rem3A_79 : i32
      %mul3A_90 = arith.constant 16 : i32
      %mul3A_91 = arith.muli %select_n3A_89, %mul3A_90 : i32
      %swap3A = arith.index_cast %select_n3A : i32 to index
      %swap3A_92 = arith.index_cast %mul3A_91 : i32 to index
      %swap3A_93 = tpu.vector_load %arg17[%swap3A, %swap3A_92] {strides = array<i32>} : memref<40x128xf32, #tpu.memory_space<vmem>>, vector<16xf32>,
      tpu.vector_store %arg17[%swap3A, %swap3A_92], %broadcast_in_dim3A_57 {strides = array<i32>} : memref<40x128xf32, #tpu.memory_space<vmem>>, vector<16xf32>,
      %scan3A_94 = arith.constant 0 : i32
      scf.yield %scan3A_94 : i32
    }
    %scan3A_10 = arith.constant 320 : i32
    %lt3A = arith.constant 15 : i32
    %lt3A_11 = arith.cmpi slt, %arg1, %lt3A : i32
    %convert_element_type3A = arith.extui %lt3A_11 : i1 to i32
    %cond3A = arith.constant 0 : i32
    %cond3A_12 = arith.cmpi ne, %convert_element_type3A, %cond3A : i32
    scf.if %cond3A_12 {
      %scan3A_55 = arith.constant 0 : i32
      %scan3A_56 = arith.constant 0 : i32
      %scan3A_57 = arith.constant 16 : i32
      %scan3A_58 = arith.addi %scan3A_56, %scan3A_57 : i32
      %scan3A_59 = arith.constant 1 : i32
      %scan3A_60 = scf.for %scan3A_62 = %scan3A_56 to %scan3A_58 step %scan3A_59 iter_args(%scan3A_63 = %scan3A_55) -> (i32)  : i32 {
        %mul3A_64 = arith.constant 40 : i32
        %mul3A_65 = arith.muli %scan3A_62, %mul3A_64 : i32
        %add3A_66 = arith.addi %mul3A_4, %mul3A_65 : i32
        "tpu.region"() ({
          %run_scoped3A = tpu.sem_alloc : memref<!tpu.dma_semaphore, #tpu.memory_space<semaphore_mem>>
          %dma_start3A = arith.constant 0 : i32
          %dma_start3A_68 = arith.constant 0 : i32
          %dma_start3A_69 = tpu.memref_slice %arg17[%dma_start3A, %dma_start3A_68] : memref<40x128xf32, #tpu.memory_space<vmem>> -> memref<40x128xf32, #tpu.memory_space<vmem>>
          %dma_start3A_70 = arith.constant 0 : i32
          %dma_start3A_71 = tpu.memref_slice %arg19[%add3A_66, %dma_start3A_70] : memref<10000x128xf32, #tpu.memory_space<vmem_shared>> -> memref<40x128xf32, #tpu.memory_space<vmem_shared>>
          %dma_start3A_72 = arith.constant 0 : i32
          %dma_start3A_73 = tpu.memref_slice %arg19[%add3A_66, %dma_start3A_72] : memref<10000x128xf32, #tpu.memory_space<vmem_shared>> -> memref<40x128xf32, #tpu.memory_space<vmem_shared>>
          %dma_start3A_74 = arith.constant 0 : i32
          %dma_start3A_75 = arith.constant 0 : i32
          %dma_start3A_76 = tpu.memref_slice %arg17[%dma_start3A_74, %dma_start3A_75] : memref<40x128xf32, #tpu.memory_space<vmem>> -> memref<40x128xf32, #tpu.memory_space<vmem>>
          tpu.enqueue_dma source(%dma_start3A_76 : memref<40x128xf32, #tpu.memory_space<vmem>>) target(%dma_start3A_73 : memref<40x128xf32, #tpu.memory_space<vmem_shared>>) target_semaphore(%run_scoped3A : memref<!tpu.dma_semaphore, #tpu.memory_space<semaphore_mem>>)
          %dma_wait3A = arith.constant 0 : i32
          %dma_wait3A_77 = arith.constant 0 : i32
          %dma_wait3A_78 = tpu.memref_slice %arg17[%dma_wait3A, %dma_wait3A_77] : memref<40x128xf32, #tpu.memory_space<vmem>> -> memref<40x128xf32, #tpu.memory_space<vmem>>
          %dma_wait3A_79 = arith.constant 0 : i32
          %dma_wait3A_80 = tpu.memref_slice %arg19[%add3A_66, %dma_wait3A_79] : memref<10000x128xf32, #tpu.memory_space<vmem_shared>> -> memref<40x128xf32, #tpu.memory_space<vmem_shared>>
          %dma_wait3A_81 = arith.constant 0 : i32
          %dma_wait3A_82 = tpu.memref_slice %arg19[%add3A_66, %dma_wait3A_81] : memref<10000x128xf32, #tpu.memory_space<vmem_shared>> -> memref<40x128xf32, #tpu.memory_space<vmem_shared>>
          %dma_wait3A_83 = arith.constant 0 : i32
          %dma_wait3A_84 = arith.constant 0 : i32
          %dma_wait3A_85 = tpu.memref_slice %arg17[%dma_wait3A_83, %dma_wait3A_84] : memref<40x128xf32, #tpu.memory_space<vmem>> -> memref<40x128xf32, #tpu.memory_space<vmem>>
          tpu.wait_dma2 semaphore(%run_scoped3A : memref<!tpu.dma_semaphore, #tpu.memory_space<semaphore_mem>>) src(%dma_wait3A_85 : memref<40x128xf32, #tpu.memory_space<vmem>>) dst(%dma_wait3A_82 : memref<40x128xf32, #tpu.memory_space<vmem_shared>>)
          tpu.yield
        }) : () -> ()
        %scan3A_67 = arith.constant 0 : i32
        scf.yield %scan3A_67 : i32
      }
      %scan3A_61 = arith.constant 16 : i32
    } else {
    }
    %eq3A = arith.constant 15 : i32
    %eq3A_13 = arith.cmpi eq, %arg1, %eq3A : i32
    %convert_element_type3A_14 = arith.extui %eq3A_13 : i1 to i32
    %cond3A_15 = arith.constant 0 : i32
    %cond3A_16 = arith.cmpi ne, %convert_element_type3A_14, %cond3A_15 : i32
    scf.if %cond3A_16 {
      %scan3A_55 = arith.constant 0 : i32
      %scan3A_56 = arith.constant 0 : i32
      %scan3A_57 = arith.constant 10 : i32
      %scan3A_58 = arith.addi %scan3A_56, %scan3A_57 : i32
      %scan3A_59 = arith.constant 1 : i32
      %scan3A_60 = scf.for %scan3A_62 = %scan3A_56 to %scan3A_58 step %scan3A_59 iter_args(%scan3A_63 = %scan3A_55) -> (i32)  : i32 {
        %mul3A_64 = arith.constant 40 : i32
        %mul3A_65 = arith.muli %scan3A_62, %mul3A_64 : i32
        %add3A_66 = arith.addi %mul3A_4, %mul3A_65 : i32
        "tpu.region"() ({
          %run_scoped3A = tpu.sem_alloc : memref<!tpu.dma_semaphore, #tpu.memory_space<semaphore_mem>>
          %dma_start3A = arith.constant 0 : i32
          %dma_start3A_68 = arith.constant 0 : i32
          %dma_start3A_69 = tpu.memref_slice %arg17[%dma_start3A, %dma_start3A_68] : memref<40x128xf32, #tpu.memory_space<vmem>> -> memref<40x128xf32, #tpu.memory_space<vmem>>
          %dma_start3A_70 = arith.constant 0 : i32
          %dma_start3A_71 = tpu.memref_slice %arg19[%add3A_66, %dma_start3A_70] : memref<10000x128xf32, #tpu.memory_space<vmem_shared>> -> memref<40x128xf32, #tpu.memory_space<vmem_shared>>
          %dma_start3A_72 = arith.constant 0 : i32
          %dma_start3A_73 = tpu.memref_slice %arg19[%add3A_66, %dma_start3A_72] : memref<10000x128xf32, #tpu.memory_space<vmem_shared>> -> memref<40x128xf32, #tpu.memory_space<vmem_shared>>
          %dma_start3A_74 = arith.constant 0 : i32
          %dma_start3A_75 = arith.constant 0 : i32
          %dma_start3A_76 = tpu.memref_slice %arg17[%dma_start3A_74, %dma_start3A_75] : memref<40x128xf32, #tpu.memory_space<vmem>> -> memref<40x128xf32, #tpu.memory_space<vmem>>
          tpu.enqueue_dma source(%dma_start3A_76 : memref<40x128xf32, #tpu.memory_space<vmem>>) target(%dma_start3A_73 : memref<40x128xf32, #tpu.memory_space<vmem_shared>>) target_semaphore(%run_scoped3A : memref<!tpu.dma_semaphore, #tpu.memory_space<semaphore_mem>>)
          %dma_wait3A = arith.constant 0 : i32
          %dma_wait3A_77 = arith.constant 0 : i32
          %dma_wait3A_78 = tpu.memref_slice %arg17[%dma_wait3A, %dma_wait3A_77] : memref<40x128xf32, #tpu.memory_space<vmem>> -> memref<40x128xf32, #tpu.memory_space<vmem>>
          %dma_wait3A_79 = arith.constant 0 : i32
          %dma_wait3A_80 = tpu.memref_slice %arg19[%add3A_66, %dma_wait3A_79] : memref<10000x128xf32, #tpu.memory_space<vmem_shared>> -> memref<40x128xf32, #tpu.memory_space<vmem_shared>>
          %dma_wait3A_81 = arith.constant 0 : i32
          %dma_wait3A_82 = tpu.memref_slice %arg19[%add3A_66, %dma_wait3A_81] : memref<10000x128xf32, #tpu.memory_space<vmem_shared>> -> memref<40x128xf32, #tpu.memory_space<vmem_shared>>
          %dma_wait3A_83 = arith.constant 0 : i32
          %dma_wait3A_84 = arith.constant 0 : i32
          %dma_wait3A_85 = tpu.memref_slice %arg17[%dma_wait3A_83, %dma_wait3A_84] : memref<40x128xf32, #tpu.memory_space<vmem>> -> memref<40x128xf32, #tpu.memory_space<vmem>>
          tpu.wait_dma2 semaphore(%run_scoped3A : memref<!tpu.dma_semaphore, #tpu.memory_space<semaphore_mem>>) src(%dma_wait3A_85 : memref<40x128xf32, #tpu.memory_space<vmem>>) dst(%dma_wait3A_82 : memref<40x128xf32, #tpu.memory_space<vmem_shared>>)
          tpu.yield
        }) : () -> ()
        %scan3A_67 = arith.constant 0 : i32
        scf.yield %scan3A_67 : i32
      }
      %scan3A_61 = arith.constant 10 : i32
    } else {
    }
    %barrier3A = arith.constant 0 : index
    tpu.barrier barrier_id(%barrier3A)
    %get3A = arith.constant 0 : index
    %get3A_17 = tpu.vector_load %arg11[%get3A] {strides = array<i32>} : memref<128xf32, #tpu.memory_space<vmem>>, vector<16xf32>,
    %get3A_18 = arith.constant 16 : index
    %get3A_19 = tpu.vector_load %arg11[%get3A_18] {strides = array<i32>} : memref<128xf32, #tpu.memory_space<vmem>>, vector<16xf32>,
    %get3A_20 = arith.constant 32 : index
    %get3A_21 = tpu.vector_load %arg11[%get3A_20] {strides = array<i32>} : memref<128xf32, #tpu.memory_space<vmem>>, vector<16xf32>,
    %get3A_22 = arith.constant 48 : index
    %get3A_23 = tpu.vector_load %arg11[%get3A_22] {strides = array<i32>} : memref<128xf32, #tpu.memory_space<vmem>>, vector<16xf32>,
    %get3A_24 = arith.constant 64 : index
    %get3A_25 = tpu.vector_load %arg11[%get3A_24] {strides = array<i32>} : memref<128xf32, #tpu.memory_space<vmem>>, vector<16xf32>,
    %get3A_26 = arith.constant 80 : index
    %get3A_27 = tpu.vector_load %arg11[%get3A_26] {strides = array<i32>} : memref<128xf32, #tpu.memory_space<vmem>>, vector<16xf32>,
    %get3A_28 = arith.constant 96 : index
    %get3A_29 = tpu.vector_load %arg11[%get3A_28] {strides = array<i32>} : memref<128xf32, #tpu.memory_space<vmem>>, vector<16xf32>,
    %get3A_30 = arith.constant 112 : index
    %get3A_31 = tpu.vector_load %arg11[%get3A_30] {strides = array<i32>} : memref<128xf32, #tpu.memory_space<vmem>>, vector<16xf32>,
    %get3A_32 = arith.constant 0 : index
    %get3A_33 = tpu.vector_load %arg12[%get3A_32] {strides = array<i32>} : memref<16xf32, #tpu.memory_space<vmem>>, vector<16xf32>,
    %iota3A = tpu.iota {dimensions = array<i32: 0>} : vector<16xi32>
    %eq3A_34 = arith.constant 0 : i32
    %eq3A_35 = vector.broadcast %eq3A_34 : i32 to vector<16xi32>
    %eq3A_36 = arith.cmpi eq, %iota3A, %eq3A_35 : vector<16xi32>
    %scan3A_37 = arith.constant 0 : i32
    %scan3A_38 = arith.constant 0 : i32
    %scan3A_39 = arith.constant 250 : i32
    %scan3A_40 = arith.addi %scan3A_38, %scan3A_39 : i32
    %scan3A_41 = arith.constant 1 : i32
    %scan3A_42 = scf.for %scan3A_55 = %scan3A_38 to %scan3A_40 step %scan3A_41 iter_args(%scan3A_56 = %scan3A_37) -> (i32)  : i32 {
      %add3A_57 = arith.addi %mul3A_2, %scan3A_55 : i32
      %mul3A_58 = arith.constant 40 : i32
      %mul3A_59 = arith.muli %add3A_57, %mul3A_58 : i32
      "tpu.region"() ({
        %run_scoped3A_112 = tpu.sem_alloc : memref<!tpu.dma_semaphore, #tpu.memory_space<semaphore_mem>>
        %dma_start3A_113 = arith.constant 0 : i32
        %dma_start3A_114 = arith.constant 0 : i32
        %dma_start3A_115 = tpu.memref_slice %arg6[%add3A_57, %dma_start3A_113, %dma_start3A_114] : memref<8000x4x40xi32, #tpu.memory_space<hbm>> -> memref<1x4x40xi32, #tpu.memory_space<hbm>>
        %dma_start3A_116 = tpu.memref_squeeze %dma_start3A_115 : memref<1x4x40xi32, #tpu.memory_space<hbm>> -> memref<4x40xi32, #tpu.memory_space<hbm>>
        %dma_start3A_117 = arith.constant 0 : i32
        %dma_start3A_118 = arith.constant 0 : i32
        %dma_start3A_119 = tpu.memref_slice %arg6[%add3A_57, %dma_start3A_117, %dma_start3A_118] : memref<8000x4x40xi32, #tpu.memory_space<hbm>> -> memref<1x4x40xi32, #tpu.memory_space<hbm>>
        %dma_start3A_120 = tpu.memref_squeeze %dma_start3A_119 : memref<1x4x40xi32, #tpu.memory_space<hbm>> -> memref<4x40xi32, #tpu.memory_space<hbm>>
        tpu.enqueue_dma source(%dma_start3A_120 : memref<4x40xi32, #tpu.memory_space<hbm>>) target(%arg13 : memref<4x40xi32, #tpu.memory_space<vmem>>) target_semaphore(%run_scoped3A_112 : memref<!tpu.dma_semaphore, #tpu.memory_space<semaphore_mem>>)
        %dma_wait3A_121 = arith.constant 0 : i32
        %dma_wait3A_122 = arith.constant 0 : i32
        %dma_wait3A_123 = tpu.memref_slice %arg6[%add3A_57, %dma_wait3A_121, %dma_wait3A_122] : memref<8000x4x40xi32, #tpu.memory_space<hbm>> -> memref<1x4x40xi32, #tpu.memory_space<hbm>>
        %dma_wait3A_124 = tpu.memref_squeeze %dma_wait3A_123 : memref<1x4x40xi32, #tpu.memory_space<hbm>> -> memref<4x40xi32, #tpu.memory_space<hbm>>
        %dma_wait3A_125 = arith.constant 0 : i32
        %dma_wait3A_126 = arith.constant 0 : i32
        %dma_wait3A_127 = tpu.memref_slice %arg6[%add3A_57, %dma_wait3A_125, %dma_wait3A_126] : memref<8000x4x40xi32, #tpu.memory_space<hbm>> -> memref<1x4x40xi32, #tpu.memory_space<hbm>>
        %dma_wait3A_128 = tpu.memref_squeeze %dma_wait3A_127 : memref<1x4x40xi32, #tpu.memory_space<hbm>> -> memref<4x40xi32, #tpu.memory_space<hbm>>
        tpu.wait_dma2 semaphore(%run_scoped3A_112 : memref<!tpu.dma_semaphore, #tpu.memory_space<semaphore_mem>>) src(%dma_wait3A_128 : memref<4x40xi32, #tpu.memory_space<hbm>>) dst(%arg13 : memref<4x40xi32, #tpu.memory_space<vmem>>)
        tpu.yield
      }) : () -> ()
      %dma_start3A = arith.constant 2 : i32
      %dma_start3A_60 = arith.constant 0 : i32
      %dma_start3A_61 = tpu.memref_slice %arg13[%dma_start3A, %dma_start3A_60] : memref<4x40xi32, #tpu.memory_space<vmem>> -> memref<1x40xi32, #tpu.memory_space<vmem>>
      %dma_start3A_62 = tpu.memref_squeeze %dma_start3A_61 : memref<1x40xi32, #tpu.memory_space<vmem>> -> memref<40xi32, #tpu.memory_space<vmem>>
      %dma_start3A_63 = arith.constant 0 : i32
      %dma_start3A_64 = tpu.memref_slice %arg5[%dma_start3A_63] : memref<10000xi32, #tpu.memory_space<hbm>> -> memref<10000xi32, #tpu.memory_space<hbm>>
      tpu.enqueue_indirect_dma source(%dma_start3A_64 : memref<10000xi32, #tpu.memory_space<hbm>>) target(%arg14 : memref<40xi32, #tpu.memory_space<vmem>>) offsets(%dma_start3A_62 : memref<40xi32, #tpu.memory_space<vmem>>) semaphore(%arg22 : memref<!tpu.dma_semaphore, #tpu.memory_space<semaphore_mem>>)
      %dma_start3A_65 = arith.constant 0 : i32
      %dma_start3A_66 = arith.constant 0 : i32
      %dma_start3A_67 = tpu.memref_slice %arg13[%dma_start3A_65, %dma_start3A_66] : memref<4x40xi32, #tpu.memory_space<vmem>> -> memref<1x40xi32, #tpu.memory_space<vmem>>
      %dma_start3A_68 = tpu.memref_squeeze %dma_start3A_67 : memref<1x40xi32, #tpu.memory_space<vmem>> -> memref<40xi32, #tpu.memory_space<vmem>>
      %dma_start3A_69 = arith.constant 0 : i32
      %dma_start3A_70 = arith.constant 0 : i32
      %dma_start3A_71 = tpu.memref_slice %arg2[%dma_start3A_69, %dma_start3A_70] : memref<10000x256xf32, #tpu.memory_space<hbm>> -> memref<10000x256xf32, #tpu.memory_space<hbm>>
      tpu.enqueue_indirect_dma source(%dma_start3A_71 : memref<10000x256xf32, #tpu.memory_space<hbm>>) target(%arg15 : memref<40x256xf32, #tpu.memory_space<vmem>>) offsets(%dma_start3A_68 : memref<40xi32, #tpu.memory_space<vmem>>) semaphore(%arg20 : memref<!tpu.dma_semaphore, #tpu.memory_space<semaphore_mem>>)
      %dma_start3A_72 = arith.constant 1 : i32
      %dma_start3A_73 = arith.constant 0 : i32
      %dma_start3A_74 = tpu.memref_slice %arg13[%dma_start3A_72, %dma_start3A_73] : memref<4x40xi32, #tpu.memory_space<vmem>> -> memref<1x40xi32, #tpu.memory_space<vmem>>
      %dma_start3A_75 = tpu.memref_squeeze %dma_start3A_74 : memref<1x40xi32, #tpu.memory_space<vmem>> -> memref<40xi32, #tpu.memory_space<vmem>>
      %dma_start3A_76 = arith.constant 0 : i32
      %dma_start3A_77 = arith.constant 0 : i32
      %dma_start3A_78 = tpu.memref_slice %arg3[%dma_start3A_76, %dma_start3A_77] : memref<10008x256xf32, #tpu.memory_space<hbm>> -> memref<10008x256xf32, #tpu.memory_space<hbm>>
      tpu.enqueue_indirect_dma source(%dma_start3A_78 : memref<10008x256xf32, #tpu.memory_space<hbm>>) target(%arg16 : memref<40x256xf32, #tpu.memory_space<vmem>>) offsets(%dma_start3A_75 : memref<40xi32, #tpu.memory_space<vmem>>) semaphore(%arg21 : memref<!tpu.dma_semaphore, #tpu.memory_space<semaphore_mem>>)
      %dma_wait3A = arith.constant 2 : i32
      %dma_wait3A_79 = arith.constant 0 : i32
      %dma_wait3A_80 = tpu.memref_slice %arg13[%dma_wait3A, %dma_wait3A_79] : memref<4x40xi32, #tpu.memory_space<vmem>> -> memref<1x40xi32, #tpu.memory_space<vmem>>
      %dma_wait3A_81 = tpu.memref_squeeze %dma_wait3A_80 : memref<1x40xi32, #tpu.memory_space<vmem>> -> memref<40xi32, #tpu.memory_space<vmem>>
      %dma_wait3A_82 = arith.constant 0 : i32
      %dma_wait3A_83 = tpu.memref_slice %arg5[%dma_wait3A_82] : memref<10000xi32, #tpu.memory_space<hbm>> -> memref<10000xi32, #tpu.memory_space<hbm>>
      tpu.wait_indirect_dma semaphore(%arg22 : memref<!tpu.dma_semaphore, #tpu.memory_space<semaphore_mem>>) src(%dma_wait3A_83 : memref<10000xi32, #tpu.memory_space<hbm>>) dst(%arg14 : memref<40xi32, #tpu.memory_space<vmem>>)
      %dma_start3A_84 = arith.constant 0 : i32
      %dma_start3A_85 = arith.constant 0 : i32
      %dma_start3A_86 = tpu.memref_slice %arg4[%dma_start3A_84, %dma_start3A_85] : memref<10008x128xf32, #tpu.memory_space<hbm>> -> memref<10008x128xf32, #tpu.memory_space<hbm>>
      tpu.enqueue_indirect_dma source(%dma_start3A_86 : memref<10008x128xf32, #tpu.memory_space<hbm>>) target(%arg17 : memref<40x128xf32, #tpu.memory_space<vmem>>) offsets(%arg14 : memref<40xi32, #tpu.memory_space<vmem>>) semaphore(%arg22 : memref<!tpu.dma_semaphore, #tpu.memory_space<semaphore_mem>>)
      %dma_wait3A_87 = arith.constant 0 : i32
      %dma_wait3A_88 = arith.constant 0 : i32
      %dma_wait3A_89 = tpu.memref_slice %arg13[%dma_wait3A_87, %dma_wait3A_88] : memref<4x40xi32, #tpu.memory_space<vmem>> -> memref<1x40xi32, #tpu.memory_space<vmem>>
      %dma_wait3A_90 = tpu.memref_squeeze %dma_wait3A_89 : memref<1x40xi32, #tpu.memory_space<vmem>> -> memref<40xi32, #tpu.memory_space<vmem>>
      %dma_wait3A_91 = arith.constant 0 : i32
      %dma_wait3A_92 = arith.constant 0 : i32
      %dma_wait3A_93 = tpu.memref_slice %arg2[%dma_wait3A_91, %dma_wait3A_92] : memref<10000x256xf32, #tpu.memory_space<hbm>> -> memref<10000x256xf32, #tpu.memory_space<hbm>>
      tpu.wait_indirect_dma semaphore(%arg20 : memref<!tpu.dma_semaphore, #tpu.memory_space<semaphore_mem>>) src(%dma_wait3A_93 : memref<10000x256xf32, #tpu.memory_space<hbm>>) dst(%arg15 : memref<40x256xf32, #tpu.memory_space<vmem>>)
      %dma_wait3A_94 = arith.constant 1 : i32
      %dma_wait3A_95 = arith.constant 0 : i32
      %dma_wait3A_96 = tpu.memref_slice %arg13[%dma_wait3A_94, %dma_wait3A_95] : memref<4x40xi32, #tpu.memory_space<vmem>> -> memref<1x40xi32, #tpu.memory_space<vmem>>
      %dma_wait3A_97 = tpu.memref_squeeze %dma_wait3A_96 : memref<1x40xi32, #tpu.memory_space<vmem>> -> memref<40xi32, #tpu.memory_space<vmem>>
      %dma_wait3A_98 = arith.constant 0 : i32
      %dma_wait3A_99 = arith.constant 0 : i32
      %dma_wait3A_100 = tpu.memref_slice %arg3[%dma_wait3A_98, %dma_wait3A_99] : memref<10008x256xf32, #tpu.memory_space<hbm>> -> memref<10008x256xf32, #tpu.memory_space<hbm>>
      tpu.wait_indirect_dma semaphore(%arg21 : memref<!tpu.dma_semaphore, #tpu.memory_space<semaphore_mem>>) src(%dma_wait3A_100 : memref<10008x256xf32, #tpu.memory_space<hbm>>) dst(%arg16 : memref<40x256xf32, #tpu.memory_space<vmem>>)
      %dma_wait3A_101 = arith.constant 0 : i32
      %dma_wait3A_102 = arith.constant 0 : i32
      %dma_wait3A_103 = tpu.memref_slice %arg4[%dma_wait3A_101, %dma_wait3A_102] : memref<10008x128xf32, #tpu.memory_space<hbm>> -> memref<10008x128xf32, #tpu.memory_space<hbm>>
      tpu.wait_indirect_dma semaphore(%arg22 : memref<!tpu.dma_semaphore, #tpu.memory_space<semaphore_mem>>) src(%dma_wait3A_103 : memref<10008x128xf32, #tpu.memory_space<hbm>>) dst(%arg17 : memref<40x128xf32, #tpu.memory_space<vmem>>)
      %scan3A_104 = arith.constant 0 : i32
      %scan3A_105 = arith.constant 0 : i32
      %scan3A_106 = arith.constant 40 : i32
      %scan3A_107 = arith.addi %scan3A_105, %scan3A_106 : i32
      %scan3A_108 = arith.constant 1 : i32
      %scan3A_109 = scf.for %scan3A_112 = %scan3A_105 to %scan3A_107 step %scan3A_108 iter_args(%scan3A_113 = %scan3A_104) -> (i32)  : i32 {
        %get3A_114 = arith.index_cast %scan3A_112 : i32 to index
        %get3A_115 = arith.constant 128 : index
        %get3A_116 = tpu.vector_load %arg15[%get3A_114, %get3A_115] {strides = array<i32>} : memref<40x256xf32, #tpu.memory_space<vmem>>, vector<16xf32>,
        %get3A_117 = arith.index_cast %scan3A_112 : i32 to index
        %get3A_118 = arith.constant 128 : index
        %get3A_119 = tpu.vector_load %arg16[%get3A_117, %get3A_118] {strides = array<i32>} : memref<40x256xf32, #tpu.memory_space<vmem>>, vector<16xf32>,
        %get3A_120 = arith.index_cast %scan3A_112 : i32 to index
        %get3A_121 = arith.constant 0 : index
        %get3A_122 = tpu.vector_load %arg17[%get3A_120, %get3A_121] {strides = array<i32>} : memref<40x128xf32, #tpu.memory_space<vmem>>, vector<16xf32>,
        %add3A_123 = arith.addf %get3A_116, %get3A_119 : vector<16xf32>
        %add3A_124 = arith.addf %add3A_123, %get3A_122 : vector<16xf32>
        %max3A = arith.constant 0.000000e+00 : f32
        %max3A_125 = vector.broadcast %max3A : f32 to vector<16xf32>
        %max3A_126 = arith.maximumf %add3A_124, %max3A_125 : vector<16xf32>
        %mul3A_127 = arith.mulf %max3A_126, %get3A_17 : vector<16xf32>
        %add3A_128 = arith.addf %get3A_33, %mul3A_127 : vector<16xf32>
        %get3A_129 = arith.index_cast %scan3A_112 : i32 to index
        %get3A_130 = arith.constant 144 : index
        %get3A_131 = tpu.vector_load %arg15[%get3A_129, %get3A_130] {strides = array<i32>} : memref<40x256xf32, #tpu.memory_space<vmem>>, vector<16xf32>,
        %get3A_132 = arith.index_cast %scan3A_112 : i32 to index
        %get3A_133 = arith.constant 144 : index
        %get3A_134 = tpu.vector_load %arg16[%get3A_132, %get3A_133] {strides = array<i32>} : memref<40x256xf32, #tpu.memory_space<vmem>>, vector<16xf32>,
        %get3A_135 = arith.index_cast %scan3A_112 : i32 to index
        %get3A_136 = arith.constant 16 : index
        %get3A_137 = tpu.vector_load %arg17[%get3A_135, %get3A_136] {strides = array<i32>} : memref<40x128xf32, #tpu.memory_space<vmem>>, vector<16xf32>,
        %add3A_138 = arith.addf %get3A_131, %get3A_134 : vector<16xf32>
        %add3A_139 = arith.addf %add3A_138, %get3A_137 : vector<16xf32>
        %max3A_140 = arith.constant 0.000000e+00 : f32
        %max3A_141 = vector.broadcast %max3A_140 : f32 to vector<16xf32>
        %max3A_142 = arith.maximumf %add3A_139, %max3A_141 : vector<16xf32>
        %mul3A_143 = arith.mulf %max3A_142, %get3A_19 : vector<16xf32>
        %add3A_144 = arith.addf %add3A_128, %mul3A_143 : vector<16xf32>
        %get3A_145 = arith.index_cast %scan3A_112 : i32 to index
        %get3A_146 = arith.constant 160 : index
        %get3A_147 = tpu.vector_load %arg15[%get3A_145, %get3A_146] {strides = array<i32>} : memref<40x256xf32, #tpu.memory_space<vmem>>, vector<16xf32>,
        %get3A_148 = arith.index_cast %scan3A_112 : i32 to index
        %get3A_149 = arith.constant 160 : index
        %get3A_150 = tpu.vector_load %arg16[%get3A_148, %get3A_149] {strides = array<i32>} : memref<40x256xf32, #tpu.memory_space<vmem>>, vector<16xf32>,
        %get3A_151 = arith.index_cast %scan3A_112 : i32 to index
        %get3A_152 = arith.constant 32 : index
        %get3A_153 = tpu.vector_load %arg17[%get3A_151, %get3A_152] {strides = array<i32>} : memref<40x128xf32, #tpu.memory_space<vmem>>, vector<16xf32>,
        %add3A_154 = arith.addf %get3A_147, %get3A_150 : vector<16xf32>
        %add3A_155 = arith.addf %add3A_154, %get3A_153 : vector<16xf32>
        %max3A_156 = arith.constant 0.000000e+00 : f32
        %max3A_157 = vector.broadcast %max3A_156 : f32 to vector<16xf32>
        %max3A_158 = arith.maximumf %add3A_155, %max3A_157 : vector<16xf32>
        %mul3A_159 = arith.mulf %max3A_158, %get3A_21 : vector<16xf32>
        %add3A_160 = arith.addf %add3A_144, %mul3A_159 : vector<16xf32>
        %get3A_161 = arith.index_cast %scan3A_112 : i32 to index
        %get3A_162 = arith.constant 176 : index
        %get3A_163 = tpu.vector_load %arg15[%get3A_161, %get3A_162] {strides = array<i32>} : memref<40x256xf32, #tpu.memory_space<vmem>>, vector<16xf32>,
        %get3A_164 = arith.index_cast %scan3A_112 : i32 to index
        %get3A_165 = arith.constant 176 : index
        %get3A_166 = tpu.vector_load %arg16[%get3A_164, %get3A_165] {strides = array<i32>} : memref<40x256xf32, #tpu.memory_space<vmem>>, vector<16xf32>,
        %get3A_167 = arith.index_cast %scan3A_112 : i32 to index
        %get3A_168 = arith.constant 48 : index
        %get3A_169 = tpu.vector_load %arg17[%get3A_167, %get3A_168] {strides = array<i32>} : memref<40x128xf32, #tpu.memory_space<vmem>>, vector<16xf32>,
        %add3A_170 = arith.addf %get3A_163, %get3A_166 : vector<16xf32>
        %add3A_171 = arith.addf %add3A_170, %get3A_169 : vector<16xf32>
        %max3A_172 = arith.constant 0.000000e+00 : f32
        %max3A_173 = vector.broadcast %max3A_172 : f32 to vector<16xf32>
        %max3A_174 = arith.maximumf %add3A_171, %max3A_173 : vector<16xf32>
        %mul3A_175 = arith.mulf %max3A_174, %get3A_23 : vector<16xf32>
        %add3A_176 = arith.addf %add3A_160, %mul3A_175 : vector<16xf32>
        %get3A_177 = arith.index_cast %scan3A_112 : i32 to index
        %get3A_178 = arith.constant 192 : index
        %get3A_179 = tpu.vector_load %arg15[%get3A_177, %get3A_178] {strides = array<i32>} : memref<40x256xf32, #tpu.memory_space<vmem>>, vector<16xf32>,
        %get3A_180 = arith.index_cast %scan3A_112 : i32 to index
        %get3A_181 = arith.constant 192 : index
        %get3A_182 = tpu.vector_load %arg16[%get3A_180, %get3A_181] {strides = array<i32>} : memref<40x256xf32, #tpu.memory_space<vmem>>, vector<16xf32>,
        %get3A_183 = arith.index_cast %scan3A_112 : i32 to index
        %get3A_184 = arith.constant 64 : index
        %get3A_185 = tpu.vector_load %arg17[%get3A_183, %get3A_184] {strides = array<i32>} : memref<40x128xf32, #tpu.memory_space<vmem>>, vector<16xf32>,
        %add3A_186 = arith.addf %get3A_179, %get3A_182 : vector<16xf32>
        %add3A_187 = arith.addf %add3A_186, %get3A_185 : vector<16xf32>
        %max3A_188 = arith.constant 0.000000e+00 : f32
        %max3A_189 = vector.broadcast %max3A_188 : f32 to vector<16xf32>
        %max3A_190 = arith.maximumf %add3A_187, %max3A_189 : vector<16xf32>
        %mul3A_191 = arith.mulf %max3A_190, %get3A_25 : vector<16xf32>
        %add3A_192 = arith.addf %add3A_176, %mul3A_191 : vector<16xf32>
        %get3A_193 = arith.index_cast %scan3A_112 : i32 to index
        %get3A_194 = arith.constant 208 : index
        %get3A_195 = tpu.vector_load %arg15[%get3A_193, %get3A_194] {strides = array<i32>} : memref<40x256xf32, #tpu.memory_space<vmem>>, vector<16xf32>,
        %get3A_196 = arith.index_cast %scan3A_112 : i32 to index
        %get3A_197 = arith.constant 208 : index
        %get3A_198 = tpu.vector_load %arg16[%get3A_196, %get3A_197] {strides = array<i32>} : memref<40x256xf32, #tpu.memory_space<vmem>>, vector<16xf32>,
        %get3A_199 = arith.index_cast %scan3A_112 : i32 to index
        %get3A_200 = arith.constant 80 : index
        %get3A_201 = tpu.vector_load %arg17[%get3A_199, %get3A_200] {strides = array<i32>} : memref<40x128xf32, #tpu.memory_space<vmem>>, vector<16xf32>,
        %add3A_202 = arith.addf %get3A_195, %get3A_198 : vector<16xf32>
        %add3A_203 = arith.addf %add3A_202, %get3A_201 : vector<16xf32>
        %max3A_204 = arith.constant 0.000000e+00 : f32
        %max3A_205 = vector.broadcast %max3A_204 : f32 to vector<16xf32>
        %max3A_206 = arith.maximumf %add3A_203, %max3A_205 : vector<16xf32>
        %mul3A_207 = arith.mulf %max3A_206, %get3A_27 : vector<16xf32>
        %add3A_208 = arith.addf %add3A_192, %mul3A_207 : vector<16xf32>
        %get3A_209 = arith.index_cast %scan3A_112 : i32 to index
        %get3A_210 = arith.constant 224 : index
        %get3A_211 = tpu.vector_load %arg15[%get3A_209, %get3A_210] {strides = array<i32>} : memref<40x256xf32, #tpu.memory_space<vmem>>, vector<16xf32>,
        %get3A_212 = arith.index_cast %scan3A_112 : i32 to index
        %get3A_213 = arith.constant 224 : index
        %get3A_214 = tpu.vector_load %arg16[%get3A_212, %get3A_213] {strides = array<i32>} : memref<40x256xf32, #tpu.memory_space<vmem>>, vector<16xf32>,
        %get3A_215 = arith.index_cast %scan3A_112 : i32 to index
        %get3A_216 = arith.constant 96 : index
        %get3A_217 = tpu.vector_load %arg17[%get3A_215, %get3A_216] {strides = array<i32>} : memref<40x128xf32, #tpu.memory_space<vmem>>, vector<16xf32>,
        %add3A_218 = arith.addf %get3A_211, %get3A_214 : vector<16xf32>
        %add3A_219 = arith.addf %add3A_218, %get3A_217 : vector<16xf32>
        %max3A_220 = arith.constant 0.000000e+00 : f32
        %max3A_221 = vector.broadcast %max3A_220 : f32 to vector<16xf32>
        %max3A_222 = arith.maximumf %add3A_219, %max3A_221 : vector<16xf32>
        %mul3A_223 = arith.mulf %max3A_222, %get3A_29 : vector<16xf32>
        %add3A_224 = arith.addf %add3A_208, %mul3A_223 : vector<16xf32>
        %get3A_225 = arith.index_cast %scan3A_112 : i32 to index
        %get3A_226 = arith.constant 240 : index
        %get3A_227 = tpu.vector_load %arg15[%get3A_225, %get3A_226] {strides = array<i32>} : memref<40x256xf32, #tpu.memory_space<vmem>>, vector<16xf32>,
        %get3A_228 = arith.index_cast %scan3A_112 : i32 to index
        %get3A_229 = arith.constant 240 : index
        %get3A_230 = tpu.vector_load %arg16[%get3A_228, %get3A_229] {strides = array<i32>} : memref<40x256xf32, #tpu.memory_space<vmem>>, vector<16xf32>,
        %get3A_231 = arith.index_cast %scan3A_112 : i32 to index
        %get3A_232 = arith.constant 112 : index
        %get3A_233 = tpu.vector_load %arg17[%get3A_231, %get3A_232] {strides = array<i32>} : memref<40x128xf32, #tpu.memory_space<vmem>>, vector<16xf32>,
        %add3A_234 = arith.addf %get3A_227, %get3A_230 : vector<16xf32>
        %add3A_235 = arith.addf %add3A_234, %get3A_233 : vector<16xf32>
        %max3A_236 = arith.constant 0.000000e+00 : f32
        %max3A_237 = vector.broadcast %max3A_236 : f32 to vector<16xf32>
        %max3A_238 = arith.maximumf %add3A_235, %max3A_237 : vector<16xf32>
        %mul3A_239 = arith.mulf %max3A_238, %get3A_31 : vector<16xf32>
        %add3A_240 = arith.addf %add3A_224, %mul3A_239 : vector<16xf32>
        %reduce_sum3A = arith.constant true
        %reduce_sum3A_241 = vector.broadcast %reduce_sum3A : i1 to vector<16xi1>
        %reduce_sum3A_242 = tpu.scan <sum>, %add3A_240 masked %reduce_sum3A_241 : vector<16xf32>, vector<16xi1> -> vector<16xf32>
        %reduce_sum3A_243 = vector.extract %reduce_sum3A_242[15] : f32 from vector<16xf32>
        %broadcast_in_dim3A = vector.broadcast %reduce_sum3A_243 : f32 to vector<16xf32>
        %neg3A = arith.constant 0.000000e+00 : f32
        %neg3A_244 = vector.broadcast %neg3A : f32 to vector<16xf32>
        %neg3A_245 = arith.subf %neg3A_244, %broadcast_in_dim3A : vector<16xf32>
        %exp3A = math.exp %neg3A_245 : vector<16xf32>
        %add3A_246 = arith.constant 1.000000e+00 : f32
        %add3A_247 = vector.broadcast %add3A_246 : f32 to vector<16xf32>
        %add3A_248 = arith.addf %add3A_247, %exp3A : vector<16xf32>
        %div3A = arith.constant 1.000000e+00 : f32
        %div3A_249 = vector.broadcast %div3A : f32 to vector<16xf32>
        %div3A_250 = arith.divf %div3A_249, %add3A_248 : vector<16xf32>
        %broadcast_in_dim3A_251 = vector.broadcast %scan3A_112 : i32 to vector<16xi32>
        tpu.vector_store_idx %arg18[%broadcast_in_dim3A_251], %div3A_250 masked %eq3A_36 : memref<40xf32, #tpu.memory_space<vmem>>[vector<16xi32>], vector<16xf32>, vector<16xi1>
        %get3A_252 = arith.index_cast %scan3A_112 : i32 to index
        %get3A_253 = arith.constant 0 : index
        %get3A_254 = tpu.vector_load %arg15[%get3A_252, %get3A_253] {strides = array<i32>} : memref<40x256xf32, #tpu.memory_space<vmem>>, vector<16xf32>,
        %get3A_255 = arith.index_cast %scan3A_112 : i32 to index
        %get3A_256 = arith.constant 0 : index
        %get3A_257 = tpu.vector_load %arg16[%get3A_255, %get3A_256] {strides = array<i32>} : memref<40x256xf32, #tpu.memory_space<vmem>>, vector<16xf32>,
        %add3A_258 = arith.addf %get3A_254, %get3A_257 : vector<16xf32>
        %mul3A_259 = arith.mulf %div3A_250, %add3A_258 : vector<16xf32>
        %swap3A = arith.index_cast %scan3A_112 : i32 to index
        %swap3A_260 = arith.constant 0 : index
        %swap3A_261 = tpu.vector_load %arg17[%swap3A, %swap3A_260] {strides = array<i32>} : memref<40x128xf32, #tpu.memory_space<vmem>>, vector<16xf32>,
        tpu.vector_store %arg17[%swap3A, %swap3A_260], %mul3A_259 {strides = array<i32>} : memref<40x128xf32, #tpu.memory_space<vmem>>, vector<16xf32>,
        %get3A_262 = arith.index_cast %scan3A_112 : i32 to index
        %get3A_263 = arith.constant 16 : index
        %get3A_264 = tpu.vector_load %arg15[%get3A_262, %get3A_263] {strides = array<i32>} : memref<40x256xf32, #tpu.memory_space<vmem>>, vector<16xf32>,
        %get3A_265 = arith.index_cast %scan3A_112 : i32 to index
        %get3A_266 = arith.constant 16 : index
        %get3A_267 = tpu.vector_load %arg16[%get3A_265, %get3A_266] {strides = array<i32>} : memref<40x256xf32, #tpu.memory_space<vmem>>, vector<16xf32>,
        %add3A_268 = arith.addf %get3A_264, %get3A_267 : vector<16xf32>
        %mul3A_269 = arith.mulf %div3A_250, %add3A_268 : vector<16xf32>
        %swap3A_270 = arith.index_cast %scan3A_112 : i32 to index
        %swap3A_271 = arith.constant 16 : index
        %swap3A_272 = tpu.vector_load %arg17[%swap3A_270, %swap3A_271] {strides = array<i32>} : memref<40x128xf32, #tpu.memory_space<vmem>>, vector<16xf32>,
        tpu.vector_store %arg17[%swap3A_270, %swap3A_271], %mul3A_269 {strides = array<i32>} : memref<40x128xf32, #tpu.memory_space<vmem>>, vector<16xf32>,
        %get3A_273 = arith.index_cast %scan3A_112 : i32 to index
        %get3A_274 = arith.constant 32 : index
        %get3A_275 = tpu.vector_load %arg15[%get3A_273, %get3A_274] {strides = array<i32>} : memref<40x256xf32, #tpu.memory_space<vmem>>, vector<16xf32>,
        %get3A_276 = arith.index_cast %scan3A_112 : i32 to index
        %get3A_277 = arith.constant 32 : index
        %get3A_278 = tpu.vector_load %arg16[%get3A_276, %get3A_277] {strides = array<i32>} : memref<40x256xf32, #tpu.memory_space<vmem>>, vector<16xf32>,
        %add3A_279 = arith.addf %get3A_275, %get3A_278 : vector<16xf32>
        %mul3A_280 = arith.mulf %div3A_250, %add3A_279 : vector<16xf32>
        %swap3A_281 = arith.index_cast %scan3A_112 : i32 to index
        %swap3A_282 = arith.constant 32 : index
        %swap3A_283 = tpu.vector_load %arg17[%swap3A_281, %swap3A_282] {strides = array<i32>} : memref<40x128xf32, #tpu.memory_space<vmem>>, vector<16xf32>,
        tpu.vector_store %arg17[%swap3A_281, %swap3A_282], %mul3A_280 {strides = array<i32>} : memref<40x128xf32, #tpu.memory_space<vmem>>, vector<16xf32>,
        %get3A_284 = arith.index_cast %scan3A_112 : i32 to index
        %get3A_285 = arith.constant 48 : index
        %get3A_286 = tpu.vector_load %arg15[%get3A_284, %get3A_285] {strides = array<i32>} : memref<40x256xf32, #tpu.memory_space<vmem>>, vector<16xf32>,
        %get3A_287 = arith.index_cast %scan3A_112 : i32 to index
        %get3A_288 = arith.constant 48 : index
        %get3A_289 = tpu.vector_load %arg16[%get3A_287, %get3A_288] {strides = array<i32>} : memref<40x256xf32, #tpu.memory_space<vmem>>, vector<16xf32>,
        %add3A_290 = arith.addf %get3A_286, %get3A_289 : vector<16xf32>
        %mul3A_291 = arith.mulf %div3A_250, %add3A_290 : vector<16xf32>
        %swap3A_292 = arith.index_cast %scan3A_112 : i32 to index
        %swap3A_293 = arith.constant 48 : index
        %swap3A_294 = tpu.vector_load %arg17[%swap3A_292, %swap3A_293] {strides = array<i32>} : memref<40x128xf32, #tpu.memory_space<vmem>>, vector<16xf32>,
        tpu.vector_store %arg17[%swap3A_292, %swap3A_293], %mul3A_291 {strides = array<i32>} : memref<40x128xf32, #tpu.memory_space<vmem>>, vector<16xf32>,
        %get3A_295 = arith.index_cast %scan3A_112 : i32 to index
        %get3A_296 = arith.constant 64 : index
        %get3A_297 = tpu.vector_load %arg15[%get3A_295, %get3A_296] {strides = array<i32>} : memref<40x256xf32, #tpu.memory_space<vmem>>, vector<16xf32>,
        %get3A_298 = arith.index_cast %scan3A_112 : i32 to index
        %get3A_299 = arith.constant 64 : index
        %get3A_300 = tpu.vector_load %arg16[%get3A_298, %get3A_299] {strides = array<i32>} : memref<40x256xf32, #tpu.memory_space<vmem>>, vector<16xf32>,
        %add3A_301 = arith.addf %get3A_297, %get3A_300 : vector<16xf32>
        %mul3A_302 = arith.mulf %div3A_250, %add3A_301 : vector<16xf32>
        %swap3A_303 = arith.index_cast %scan3A_112 : i32 to index
        %swap3A_304 = arith.constant 64 : index
        %swap3A_305 = tpu.vector_load %arg17[%swap3A_303, %swap3A_304] {strides = array<i32>} : memref<40x128xf32, #tpu.memory_space<vmem>>, vector<16xf32>,
        tpu.vector_store %arg17[%swap3A_303, %swap3A_304], %mul3A_302 {strides = array<i32>} : memref<40x128xf32, #tpu.memory_space<vmem>>, vector<16xf32>,
        %get3A_306 = arith.index_cast %scan3A_112 : i32 to index
        %get3A_307 = arith.constant 80 : index
        %get3A_308 = tpu.vector_load %arg15[%get3A_306, %get3A_307] {strides = array<i32>} : memref<40x256xf32, #tpu.memory_space<vmem>>, vector<16xf32>,
        %get3A_309 = arith.index_cast %scan3A_112 : i32 to index
        %get3A_310 = arith.constant 80 : index
        %get3A_311 = tpu.vector_load %arg16[%get3A_309, %get3A_310] {strides = array<i32>} : memref<40x256xf32, #tpu.memory_space<vmem>>, vector<16xf32>,
        %add3A_312 = arith.addf %get3A_308, %get3A_311 : vector<16xf32>
        %mul3A_313 = arith.mulf %div3A_250, %add3A_312 : vector<16xf32>
        %swap3A_314 = arith.index_cast %scan3A_112 : i32 to index
        %swap3A_315 = arith.constant 80 : index
        %swap3A_316 = tpu.vector_load %arg17[%swap3A_314, %swap3A_315] {strides = array<i32>} : memref<40x128xf32, #tpu.memory_space<vmem>>, vector<16xf32>,
        tpu.vector_store %arg17[%swap3A_314, %swap3A_315], %mul3A_313 {strides = array<i32>} : memref<40x128xf32, #tpu.memory_space<vmem>>, vector<16xf32>,
        %get3A_317 = arith.index_cast %scan3A_112 : i32 to index
        %get3A_318 = arith.constant 96 : index
        %get3A_319 = tpu.vector_load %arg15[%get3A_317, %get3A_318] {strides = array<i32>} : memref<40x256xf32, #tpu.memory_space<vmem>>, vector<16xf32>,
        %get3A_320 = arith.index_cast %scan3A_112 : i32 to index
        %get3A_321 = arith.constant 96 : index
        %get3A_322 = tpu.vector_load %arg16[%get3A_320, %get3A_321] {strides = array<i32>} : memref<40x256xf32, #tpu.memory_space<vmem>>, vector<16xf32>,
        %add3A_323 = arith.addf %get3A_319, %get3A_322 : vector<16xf32>
        %mul3A_324 = arith.mulf %div3A_250, %add3A_323 : vector<16xf32>
        %swap3A_325 = arith.index_cast %scan3A_112 : i32 to index
        %swap3A_326 = arith.constant 96 : index
        %swap3A_327 = tpu.vector_load %arg17[%swap3A_325, %swap3A_326] {strides = array<i32>} : memref<40x128xf32, #tpu.memory_space<vmem>>, vector<16xf32>,
        tpu.vector_store %arg17[%swap3A_325, %swap3A_326], %mul3A_324 {strides = array<i32>} : memref<40x128xf32, #tpu.memory_space<vmem>>, vector<16xf32>,
        %get3A_328 = arith.index_cast %scan3A_112 : i32 to index
        %get3A_329 = arith.constant 112 : index
        %get3A_330 = tpu.vector_load %arg15[%get3A_328, %get3A_329] {strides = array<i32>} : memref<40x256xf32, #tpu.memory_space<vmem>>, vector<16xf32>,
        %get3A_331 = arith.index_cast %scan3A_112 : i32 to index
        %get3A_332 = arith.constant 112 : index
        %get3A_333 = tpu.vector_load %arg16[%get3A_331, %get3A_332] {strides = array<i32>} : memref<40x256xf32, #tpu.memory_space<vmem>>, vector<16xf32>,
        %add3A_334 = arith.addf %get3A_330, %get3A_333 : vector<16xf32>
        %mul3A_335 = arith.mulf %div3A_250, %add3A_334 : vector<16xf32>
        %swap3A_336 = arith.index_cast %scan3A_112 : i32 to index
        %swap3A_337 = arith.constant 112 : index
        %swap3A_338 = tpu.vector_load %arg17[%swap3A_336, %swap3A_337] {strides = array<i32>} : memref<40x128xf32, #tpu.memory_space<vmem>>, vector<16xf32>,
        tpu.vector_store %arg17[%swap3A_336, %swap3A_337], %mul3A_335 {strides = array<i32>} : memref<40x128xf32, #tpu.memory_space<vmem>>, vector<16xf32>,
        %scan3A_339 = arith.constant 0 : i32
        scf.yield %scan3A_339 : i32
      }
      %scan3A_110 = arith.constant 40 : i32
      %run_scoped3A = arith.constant 3 : i32
      "tpu.region"() ({
        %run_scoped3A_112 = tpu.sem_alloc : memref<!tpu.dma_semaphore, #tpu.memory_space<semaphore_mem>>
        %dma_start3A_113 = arith.constant 0 : i32
        %dma_start3A_114 = tpu.memref_slice %arg13[%run_scoped3A, %dma_start3A_113] : memref<4x40xi32, #tpu.memory_space<vmem>> -> memref<1x40xi32, #tpu.memory_space<vmem>>
        %dma_start3A_115 = tpu.memref_squeeze %dma_start3A_114 : memref<1x40xi32, #tpu.memory_space<vmem>> -> memref<40xi32, #tpu.memory_space<vmem>>
        %dma_start3A_116 = arith.constant 0 : i32
        %dma_start3A_117 = arith.constant 0 : i32
        %dma_start3A_118 = tpu.memref_slice %arg19[%dma_start3A_116, %dma_start3A_117] : memref<10000x128xf32, #tpu.memory_space<vmem_shared>> -> memref<10000x128xf32, #tpu.memory_space<vmem_shared>>
        tpu.enqueue_indirect_dma source(%arg17 : memref<40x128xf32, #tpu.memory_space<vmem>>) target(%dma_start3A_118 : memref<10000x128xf32, #tpu.memory_space<vmem_shared>>) offsets(%dma_start3A_115 : memref<40xi32, #tpu.memory_space<vmem>>) semaphore(%run_scoped3A_112 : memref<!tpu.dma_semaphore, #tpu.memory_space<semaphore_mem>>) {add = true}
        %dma_wait3A_119 = arith.constant 0 : i32
        %dma_wait3A_120 = tpu.memref_slice %arg13[%run_scoped3A, %dma_wait3A_119] : memref<4x40xi32, #tpu.memory_space<vmem>> -> memref<1x40xi32, #tpu.memory_space<vmem>>
        %dma_wait3A_121 = tpu.memref_squeeze %dma_wait3A_120 : memref<1x40xi32, #tpu.memory_space<vmem>> -> memref<40xi32, #tpu.memory_space<vmem>>
        %dma_wait3A_122 = arith.constant 0 : i32
        %dma_wait3A_123 = arith.constant 0 : i32
        %dma_wait3A_124 = tpu.memref_slice %arg19[%dma_wait3A_122, %dma_wait3A_123] : memref<10000x128xf32, #tpu.memory_space<vmem_shared>> -> memref<10000x128xf32, #tpu.memory_space<vmem_shared>>
        tpu.wait_indirect_dma semaphore(%run_scoped3A_112 : memref<!tpu.dma_semaphore, #tpu.memory_space<semaphore_mem>>) src(%arg17 : memref<40x128xf32, #tpu.memory_space<vmem>>) dst(%dma_wait3A_124 : memref<10000x128xf32, #tpu.memory_space<vmem_shared>>)
        tpu.yield
      }) : () -> ()
      "tpu.region"() ({
        %run_scoped3A_112 = tpu.sem_alloc : memref<!tpu.dma_semaphore, #tpu.memory_space<semaphore_mem>>
        %dma_start3A_113 = tpu.memref_slice %arg9[%mul3A_59] : memref<320000xf32, #tpu.memory_space<hbm>> -> memref<40xf32, #tpu.memory_space<hbm>>
        %dma_start3A_114 = tpu.memref_slice %arg9[%mul3A_59] : memref<320000xf32, #tpu.memory_space<hbm>> -> memref<40xf32, #tpu.memory_space<hbm>>
        tpu.enqueue_dma source(%arg18 : memref<40xf32, #tpu.memory_space<vmem>>) target(%dma_start3A_114 : memref<40xf32, #tpu.memory_space<hbm>>) target_semaphore(%run_scoped3A_112 : memref<!tpu.dma_semaphore, #tpu.memory_space<semaphore_mem>>)
        %dma_wait3A_115 = tpu.memref_slice %arg9[%mul3A_59] : memref<320000xf32, #tpu.memory_space<hbm>> -> memref<40xf32, #tpu.memory_space<hbm>>
        %dma_wait3A_116 = tpu.memref_slice %arg9[%mul3A_59] : memref<320000xf32, #tpu.memory_space<hbm>> -> memref<40xf32, #tpu.memory_space<hbm>>
        tpu.wait_dma2 semaphore(%run_scoped3A_112 : memref<!tpu.dma_semaphore, #tpu.memory_space<semaphore_mem>>) src(%arg18 : memref<40xf32, #tpu.memory_space<vmem>>) dst(%dma_wait3A_116 : memref<40xf32, #tpu.memory_space<hbm>>)
        tpu.yield
      }) : () -> ()
      %scan3A_111 = arith.constant 0 : i32
      scf.yield %scan3A_111 : i32
    }
    %scan3A_43 = arith.constant 250 : i32
    %barrier3A_44 = arith.constant 0 : index
    tpu.barrier barrier_id(%barrier3A_44)
    %lt3A_45 = arith.constant 15 : i32
    %lt3A_46 = arith.cmpi slt, %arg1, %lt3A_45 : i32
    %convert_element_type3A_47 = arith.extui %lt3A_46 : i1 to i32
    %cond3A_48 = arith.constant 0 : i32
    %cond3A_49 = arith.cmpi ne, %convert_element_type3A_47, %cond3A_48 : i32
    scf.if %cond3A_49 {
      "tpu.region"() ({
        %run_scoped3A = tpu.sem_alloc : memref<!tpu.dma_semaphore, #tpu.memory_space<semaphore_mem>>
        %dma_start3A = arith.constant 0 : i32
        %dma_start3A_55 = tpu.memref_slice %arg10[%arg0, %mul3A_4, %dma_start3A] : memref<2x10000x128xf32, #tpu.memory_space<hbm>> -> memref<1x640x128xf32, #tpu.memory_space<hbm>>
        %dma_start3A_56 = tpu.memref_squeeze %dma_start3A_55 : memref<1x640x128xf32, #tpu.memory_space<hbm>> -> memref<640x128xf32, #tpu.memory_space<hbm>>
        %dma_start3A_57 = arith.constant 0 : i32
        %dma_start3A_58 = tpu.memref_slice %arg19[%mul3A_4, %dma_start3A_57] : memref<10000x128xf32, #tpu.memory_space<vmem_shared>> -> memref<640x128xf32, #tpu.memory_space<vmem_shared>>
        tpu.enqueue_dma source(%dma_start3A_58 : memref<640x128xf32, #tpu.memory_space<vmem_shared>>) target(%dma_start3A_56 : memref<640x128xf32, #tpu.memory_space<hbm>>) target_semaphore(%run_scoped3A : memref<!tpu.dma_semaphore, #tpu.memory_space<semaphore_mem>>)
        %dma_wait3A = arith.constant 0 : i32
        %dma_wait3A_59 = tpu.memref_slice %arg10[%arg0, %mul3A_4, %dma_wait3A] : memref<2x10000x128xf32, #tpu.memory_space<hbm>> -> memref<1x640x128xf32, #tpu.memory_space<hbm>>
        %dma_wait3A_60 = tpu.memref_squeeze %dma_wait3A_59 : memref<1x640x128xf32, #tpu.memory_space<hbm>> -> memref<640x128xf32, #tpu.memory_space<hbm>>
        %dma_wait3A_61 = arith.constant 0 : i32
        %dma_wait3A_62 = tpu.memref_slice %arg19[%mul3A_4, %dma_wait3A_61] : memref<10000x128xf32, #tpu.memory_space<vmem_shared>> -> memref<640x128xf32, #tpu.memory_space<vmem_shared>>
        tpu.wait_dma2 semaphore(%run_scoped3A : memref<!tpu.dma_semaphore, #tpu.memory_space<semaphore_mem>>) src(%dma_wait3A_62 : memref<640x128xf32, #tpu.memory_space<vmem_shared>>) dst(%dma_wait3A_60 : memref<640x128xf32, #tpu.memory_space<hbm>>)
        tpu.yield
      }) : () -> ()
    } else {
    }
    %eq3A_50 = arith.constant 15 : i32
    %eq3A_51 = arith.cmpi eq, %arg1, %eq3A_50 : i32
    %convert_element_type3A_52 = arith.extui %eq3A_51 : i1 to i32
    %cond3A_53 = arith.constant 0 : i32
    %cond3A_54 = arith.cmpi ne, %convert_element_type3A_52, %cond3A_53 : i32
    scf.if %cond3A_54 {
      "tpu.region"() ({
        %run_scoped3A = tpu.sem_alloc : memref<!tpu.dma_semaphore, #tpu.memory_space<semaphore_mem>>
        %dma_start3A = arith.constant 0 : i32
        %dma_start3A_55 = tpu.memref_slice %arg10[%arg0, %mul3A_4, %dma_start3A] : memref<2x10000x128xf32, #tpu.memory_space<hbm>> -> memref<1x400x128xf32, #tpu.memory_space<hbm>>
        %dma_start3A_56 = tpu.memref_squeeze %dma_start3A_55 : memref<1x400x128xf32, #tpu.memory_space<hbm>> -> memref<400x128xf32, #tpu.memory_space<hbm>>
        %dma_start3A_57 = arith.constant 0 : i32
        %dma_start3A_58 = tpu.memref_slice %arg19[%mul3A_4, %dma_start3A_57] : memref<10000x128xf32, #tpu.memory_space<vmem_shared>> -> memref<400x128xf32, #tpu.memory_space<vmem_shared>>
        tpu.enqueue_dma source(%dma_start3A_58 : memref<400x128xf32, #tpu.memory_space<vmem_shared>>) target(%dma_start3A_56 : memref<400x128xf32, #tpu.memory_space<hbm>>) target_semaphore(%run_scoped3A : memref<!tpu.dma_semaphore, #tpu.memory_space<semaphore_mem>>)
        %dma_wait3A = arith.constant 0 : i32
        %dma_wait3A_59 = tpu.memref_slice %arg10[%arg0, %mul3A_4, %dma_wait3A] : memref<2x10000x128xf32, #tpu.memory_space<hbm>> -> memref<1x400x128xf32, #tpu.memory_space<hbm>>
        %dma_wait3A_60 = tpu.memref_squeeze %dma_wait3A_59 : memref<1x400x128xf32, #tpu.memory_space<hbm>> -> memref<400x128xf32, #tpu.memory_space<hbm>>
        %dma_wait3A_61 = arith.constant 0 : i32
        %dma_wait3A_62 = tpu.memref_slice %arg19[%mul3A_4, %dma_wait3A_61] : memref<10000x128xf32, #tpu.memory_space<vmem_shared>> -> memref<400x128xf32, #tpu.memory_space<vmem_shared>>
        tpu.wait_dma2 semaphore(%run_scoped3A : memref<!tpu.dma_semaphore, #tpu.memory_space<semaphore_mem>>) src(%dma_wait3A_62 : memref<400x128xf32, #tpu.memory_space<vmem_shared>>) dst(%dma_wait3A_60 : memref<400x128xf32, #tpu.memory_space<hbm>>)
        tpu.yield
      }) : () -> ()
    } else {
    }
    return
  }
}

module attributes {stable_mosaic.version = 14 : i64} {
  func.func @_tables_body(%arg0: memref<10000x128xf32, #tpu.memory_space<vmem>>, %arg1: memref<10008x128xf32, #tpu.memory_space<vmem>>, %arg2: memref<128x128xf32, #tpu.memory_space<vmem>>, %arg3: memref<128x128xf32, #tpu.memory_space<vmem>>, %arg4: memref<128x128xf32, #tpu.memory_space<vmem>>, %arg5: memref<1x128xf32, #tpu.memory_space<vmem>>, %arg6: memref<10000x256xf32, #tpu.memory_space<vmem>>, %arg7: memref<10008x256xf32, #tpu.memory_space<vmem>>, %arg8: memref<10008x128xf32, #tpu.memory_space<vmem>>) attributes {dimension_semantics = [], scalar_prefetch = 0 : i64, scratch_operands = 0 : i64, tpu.core_type = #tpu.core_type<tc>} {
    %get3A = arith.constant 0 : index
    %get3A_0 = arith.constant 0 : index
    %get3A_1 = vector.load %arg0[%get3A, %get3A_0] : memref<10000x128xf32, #tpu.memory_space<vmem>>, vector<10000x128xf32>
    %swap3A = arith.constant 0 : index
    %swap3A_2 = arith.constant 0 : index
    %swap3A_3 = vector.load %arg6[%swap3A, %swap3A_2] : memref<10000x256xf32, #tpu.memory_space<vmem>>, vector<10000x128xf32>
    tpu.vector_store %arg6[%swap3A, %swap3A_2], %get3A_1 {strides = array<i32>} : memref<10000x256xf32, #tpu.memory_space<vmem>>, vector<10000x128xf32>,
    %get3A_4 = arith.constant 0 : index
    %get3A_5 = arith.constant 0 : index
    %get3A_6 = vector.load %arg2[%get3A_4, %get3A_5] : memref<128x128xf32, #tpu.memory_space<vmem>>, vector<128x128xf32>
    %dot_general3A = arith.constant dense<0.000000e+00> : vector<10000x128xf32>
    %dot_general3A_7 = tpu.matmul %get3A_1, %get3A_6, %dot_general3A {dimension_numbers = #tpu.dot_dimension_numbers<[1], [0], [0], [1], [0, 0, 1, 1], [], []>, transpose_lhs_hint = false} : vector<10000x128xf32>, vector<128x128xf32>, vector<10000x128xf32> -> vector<10000x128xf32>
    %swap3A_8 = arith.constant 0 : index
    %swap3A_9 = arith.constant 128 : index
    %swap3A_10 = vector.load %arg6[%swap3A_8, %swap3A_9] : memref<10000x256xf32, #tpu.memory_space<vmem>>, vector<10000x128xf32>
    tpu.vector_store %arg6[%swap3A_8, %swap3A_9], %dot_general3A_7 {strides = array<i32>} : memref<10000x256xf32, #tpu.memory_space<vmem>>, vector<10000x128xf32>,
    %get3A_11 = arith.constant 0 : index
    %get3A_12 = arith.constant 0 : index
    %get3A_13 = vector.load %arg1[%get3A_11, %get3A_12] : memref<10008x128xf32, #tpu.memory_space<vmem>>, vector<10008x128xf32>
    %swap3A_14 = arith.constant 0 : index
    %swap3A_15 = arith.constant 0 : index
    %swap3A_16 = vector.load %arg7[%swap3A_14, %swap3A_15] : memref<10008x256xf32, #tpu.memory_space<vmem>>, vector<10008x128xf32>
    tpu.vector_store %arg7[%swap3A_14, %swap3A_15], %get3A_13 {strides = array<i32>} : memref<10008x256xf32, #tpu.memory_space<vmem>>, vector<10008x128xf32>,
    %get3A_17 = arith.constant 0 : index
    %get3A_18 = arith.constant 0 : index
    %get3A_19 = vector.load %arg3[%get3A_17, %get3A_18] : memref<128x128xf32, #tpu.memory_space<vmem>>, vector<128x128xf32>
    %dot_general3A_20 = arith.constant dense<0.000000e+00> : vector<10008x128xf32>
    %dot_general3A_21 = tpu.matmul %get3A_13, %get3A_19, %dot_general3A_20 {dimension_numbers = #tpu.dot_dimension_numbers<[1], [0], [0], [1], [0, 0, 1, 1], [], []>, transpose_lhs_hint = false} : vector<10008x128xf32>, vector<128x128xf32>, vector<10008x128xf32> -> vector<10008x128xf32>
    %swap3A_22 = arith.constant 0 : index
    %swap3A_23 = arith.constant 128 : index
    %swap3A_24 = vector.load %arg7[%swap3A_22, %swap3A_23] : memref<10008x256xf32, #tpu.memory_space<vmem>>, vector<10008x128xf32>
    tpu.vector_store %arg7[%swap3A_22, %swap3A_23], %dot_general3A_21 {strides = array<i32>} : memref<10008x256xf32, #tpu.memory_space<vmem>>, vector<10008x128xf32>,
    %get3A_25 = arith.constant 0 : index
    %get3A_26 = arith.constant 0 : index
    %get3A_27 = vector.load %arg4[%get3A_25, %get3A_26] : memref<128x128xf32, #tpu.memory_space<vmem>>, vector<128x128xf32>
    %dot_general3A_28 = arith.constant dense<0.000000e+00> : vector<10008x128xf32>
    %dot_general3A_29 = tpu.matmul %get3A_13, %get3A_27, %dot_general3A_28 {dimension_numbers = #tpu.dot_dimension_numbers<[1], [0], [0], [1], [0, 0, 1, 1], [], []>, transpose_lhs_hint = false} : vector<10008x128xf32>, vector<128x128xf32>, vector<10008x128xf32> -> vector<10008x128xf32>
    %get3A_30 = arith.constant 0 : index
    %get3A_31 = arith.constant 0 : index
    %get3A_32 = vector.load %arg5[%get3A_30, %get3A_31] : memref<1x128xf32, #tpu.memory_space<vmem>>, vector<1x128xf32>
    %add3A = vector.broadcast %get3A_32 : vector<1x128xf32> to vector<10008x128xf32>
    %add3A_33 = arith.addf %dot_general3A_29, %add3A : vector<10008x128xf32>
    %swap3A_34 = arith.constant 0 : index
    %swap3A_35 = arith.constant 0 : index
    %swap3A_36 = vector.load %arg8[%swap3A_34, %swap3A_35] : memref<10008x128xf32, #tpu.memory_space<vmem>>, vector<10008x128xf32>
    tpu.vector_store %arg8[%swap3A_34, %swap3A_35], %add3A_33 {strides = array<i32>} : memref<10008x128xf32, #tpu.memory_space<vmem>>, vector<10008x128xf32>,
    return
  }
}

module attributes {stable_mosaic.version = 14 : i64} {
  func.func @_final_body(%arg0: memref<2x10000x128xf32, #tpu.memory_space<vmem>>, %arg1: memref<128x128xf32, #tpu.memory_space<vmem>>, %arg2: memref<10000x128xf32, #tpu.memory_space<vmem>>) attributes {dimension_semantics = [], scalar_prefetch = 0 : i64, scratch_operands = 0 : i64, tpu.core_type = #tpu.core_type<tc>} {
    %get3A = arith.constant 0 : index
    %get3A_0 = arith.constant 0 : index
    %get3A_1 = arith.constant 0 : index
    %get3A_2 = vector.load %arg0[%get3A, %get3A_0, %get3A_1] : memref<2x10000x128xf32, #tpu.memory_space<vmem>>, vector<1x10000x128xf32>
    %get3A_3 = vector.shape_cast %get3A_2 : vector<1x10000x128xf32> to vector<10000x128xf32>
    %get3A_4 = arith.constant 1 : index
    %get3A_5 = arith.constant 0 : index
    %get3A_6 = arith.constant 0 : index
    %get3A_7 = vector.load %arg0[%get3A_4, %get3A_5, %get3A_6] : memref<2x10000x128xf32, #tpu.memory_space<vmem>>, vector<1x10000x128xf32>
    %get3A_8 = vector.shape_cast %get3A_7 : vector<1x10000x128xf32> to vector<10000x128xf32>
    %add3A = arith.addf %get3A_3, %get3A_8 : vector<10000x128xf32>
    %get3A_9 = arith.constant 0 : index
    %get3A_10 = arith.constant 0 : index
    %get3A_11 = vector.load %arg1[%get3A_9, %get3A_10] : memref<128x128xf32, #tpu.memory_space<vmem>>, vector<128x128xf32>
    %dot_general3A = arith.constant dense<0.000000e+00> : vector<10000x128xf32>
    %dot_general3A_12 = tpu.matmul %add3A, %get3A_11, %dot_general3A {dimension_numbers = #tpu.dot_dimension_numbers<[1], [0], [0], [1], [0, 0, 1, 1], [], []>, transpose_lhs_hint = false} : vector<10000x128xf32>, vector<128x128xf32>, vector<10000x128xf32> -> vector<10000x128xf32>
    %swap3A = arith.constant 0 : index
    %swap3A_13 = arith.constant 0 : index
    %swap3A_14 = vector.load %arg2[%swap3A, %swap3A_13] : memref<10000x128xf32, #tpu.memory_space<vmem>>, vector<10000x128xf32>
    tpu.vector_store %arg2[%swap3A, %swap3A_13], %dot_general3A_12 {strides = array<i32>} : memref<10000x128xf32, #tpu.memory_space<vmem>>, vector<10000x128xf32>,
    return
  }
}

</mosaic_0001>

<sc_bundles>
// kernel: kernel.5.cloned.1.call-start
scs
__scs_entry_jumppad:
0x0: {  	(pc) =	sbr.rel $0x88, $3  }
0x1: {  	(tag) =	ssettag $0x0;
	lr =	simm.s32 $0x1  }
0x2: {  	[smem:$0x3F94] =	sst lr;
	_ =	strace $0xD0000000  }
0x3: {  	_ = 	snop  }
0x4: {  	_ = 	snop  }
0x5: {  	_ = 	snop  }
0x6: {  	_ = 	snop  }
0x7: {  	_ = 	snop  }
__scs_overlays_trampoline_lowered:
0x8: {  	[smem:$0x3FA3] =	sst s0  }
0x9: {  	[smem:$0x3FA4] =	sst s1  }
0xa: {  	[smem:$0x3FA5] =	sst s2  }
0xb: {  	[smem:$0x3FA6] =	sst s3  }
0xc: {  	[smem:$0x3FA7] =	sst s4  }
0xd: {  	[smem:$0x3FA8] =	sst s5  }
0xe: {  	[smem:$0x3FA9] =	sst s6  }
0xf: {  	[smem:$0x3FAA] =	sst s7  }
0x10: {  	[smem:$0x3FAB] =	sst s8  }
0x11: {  	[smem:$0x3FAC] =	sst s9;
	s0 =	simm.s32 @!p0 $0x0  }
0x12: {  	s1 =	sld [smem:$0x3F92];
	s0 =	simm.s32 @p0 $0x1  }
0x13: {  	[smem:$0x3FAD] =	sst s0;
	s0 =	simm.s32 @!p1 $0x0  }
0x14: {  	s2 =	sld [smem:$0x3F91];
	s0 =	simm.s32 @p1 $0x1  }
0x15: {  	[smem:$0x3FAE] =	sst s0;
	s0 =	simm.s32 @!p2 $0x0  }
0x16: {  	s3 =	sld [smem:$0x3FDB];
	s0 =	simm.s32 @p2 $0x1  }
0x17: {  	s4 =	simm.s32 $0x1BF5;
	[smem:$0x3FB0] =	sst s0  }
0x18: {  	s0 =	sld [smem:$0x3F93];
	_ =	swait.ge [sflag:s4], $0x0  }
0x19: {  	s7 =	sld [smem:$0x3F94]  }
0x1a: {  	s8 =	sadd.s32 $0xFFFFE003, lr  }
0x1b: {  	s9 =	sadd.s32 $0xFFFFFEF7, lr;
	s5 =	simm.s32 $0xFFFFFFFF;
	p2 =	slt.u32 s8, $0xFFFFF086  }
0x1c: {  	p1 =	slt.u32 s9, $0xF7A;
	s5 =	simm.s32 @!p2 $0x0  }
0x1d: {  	s5 =	simm.s32 @p1 $0x1;
	p0 =	seq.s32 s7, s2  }
0x1e: {  	s7 =	smul.u32 @!p0 $0xF7A, s2;
	p2 =	seq.s32 @!p0 s5, $0x0  }
0x1f: {  	s9 =	smul.u32 $0xF7A, s1;
	s8 =	simm.s32 @!p0 $0x1BF5;
	p2 =	por !p2, p0  }
0x20: {  	[sflag:s8] =	ssyncset.s32 @!p0 $0xFFFFF086;
	s6 =	sadd.s32 @!p0 s3, s7;
	s7 =	simm.s32 @!p0 $0x108  }
0x21: {  	s3 =	sadd.s32 s3, s9;
	s6 =	sadd.s32 @!p0 $0x88, s6;
	s7 =	simm.s32 @p2 $0x1082  }
0x22: {  	[simem:s7], [sflag:s8] =	dma.local @!p0 [hbm:s6], $0xF7A  }
0x23: {  	s9 =	sor.u32 $0xD0000000, s2;
	s6 =	simm.s32 $0x108;
	_ =	swait.ge @!p0 [sflag:s8], $0x0  }
0x24: {  	s3 =	sadd.s32 $0x88, s3;
	s6 =	simm.s32 @!p1 $0x1082;
	[sflag:s4] =	ssyncset.s32 $0xFFFFF086  }
0x25: {  	[simem:s6], [sflag:s4] =	dma.local [hbm:s3], $0xF7A  }
0x26: {  	[smem:$0x3F94] =	sst s1;
	(tag) =	ssettag s2;
	_ =	strace s9  }
0x27: {  	s1 =	sld [smem:$0x3FA4]  }
0x28: {  	s2 =	sld [smem:$0x3FA5]  }
0x29: {  	s4 =	sld [smem:$0x3FA7]  }
0x2a: {  	p0 =	seq.s32 s5, $0x0;
	s5 =	sld [smem:$0x3FA8]  }
0x2b: {  	s6 =	sld [smem:$0x3FA9]  }
0x2c: {  	s7 =	sld [smem:$0x3FAA]  }
0x2d: {  	s3 =	simm.s32 $0x108;
	s8 =	sld [smem:$0x3FAB]  }
0x2e: {  	s3 =	simm.s32 @!p0 $0x1082;
	s9 =	sld [smem:$0x3FAC]  }
0x2f: {  	lr =	sadd.s32 s0, s3;
	s0 =	sld [smem:$0x3FA3]  }
0x30: {  	s3 =	sld [smem:$0x3FA6]  }
0x31: {  	[smem:$0x3FAF] =	sst s10  }
0x32: {  	s10 =	sld [smem:$0x3FAD];
	_ =	sdelay $0x3  }
0x33: {  	p0 =	seq.s32 s10, $0x1;
	s10 =	sld [smem:$0x3FAF];
	_ =	sdelay $0x3  }
0x34: {  	[smem:$0x3FAF] =	sst s10  }
0x35: {  	s10 =	sld [smem:$0x3FAE];
	_ =	sdelay $0x3  }
0x36: {  	p1 =	seq.s32 s10, $0x1;
	s10 =	sld [smem:$0x3FAF];
	_ =	sdelay $0x3  }
0x37: {  	[smem:$0x3FAF] =	sst s10  }
0x38: {  	s10 =	sld [smem:$0x3FB0]  }
0x39: {  	_ = 	snop;
	(pc) =	sbr.ind lr, $3  }
0x3a: {  	_ = 	snop  }
0x3b: {  	_ = 	snop  }
0x3c: {  	p2 =	seq.s32 s10, $0x1;
	s10 =	sld [smem:$0x3FAF]  }
0x3d: {  	_ =	shalt  }
0x3e: {  	_ =	shalt  }
0x3f: {  	_ =	shalt  }
0x40: {  	_ =	shalt  }
0x41: {  	_ =	shalt  }
0x42: {  	_ =	shalt  }
0x43: {  	_ =	shalt  }
0x44: {  	_ =	shalt  }
0x45: {  	_ =	shalt  }
0x46: {  	_ =	shalt  }
0x47: {  	_ =	shalt  }
0x48: {  	_ =	shalt  }
0x49: {  	_ =	shalt  }
0x4a: {  	_ =	shalt  }
0x4b: {  	_ =	shalt  }
0x4c: {  	_ =	shalt  }
0x4d: {  	_ =	shalt  }
0x4e: {  	_ =	shalt  }
0x4f: {  	_ =	shalt  }
0x50: {  	_ =	shalt  }
0x51: {  	_ =	shalt  }
0x52: {  	_ =	shalt  }
0x53: {  	_ =	shalt  }
0x54: {  	_ =	shalt  }
0x55: {  	_ =	shalt  }
0x56: {  	_ =	shalt  }
0x57: {  	_ =	shalt  }
0x58: {  	_ =	shalt  }
0x59: {  	_ =	shalt  }
0x5a: {  	_ =	shalt  }
0x5b: {  	_ =	shalt  }
0x5c: {  	_ =	shalt  }
0x5d: {  	_ =	shalt  }
0x5e: {  	_ =	shalt  }
0x5f: {  	_ =	shalt  }
0x60: {  	_ =	shalt  }
0x61: {  	_ =	shalt  }
0x62: {  	_ =	shalt  }
0x63: {  	_ =	shalt  }
0x64: {  	_ =	shalt  }
0x65: {  	_ =	shalt  }
0x66: {  	_ =	shalt  }
0x67: {  	_ =	shalt  }
0x68: {  	_ =	shalt  }
0x69: {  	_ =	shalt  }
0x6a: {  	_ =	shalt  }
0x6b: {  	_ =	shalt  }
0x6c: {  	_ =	shalt  }
0x6d: {  	_ =	shalt  }
0x6e: {  	_ =	shalt  }
0x6f: {  	_ =	shalt  }
0x70: {  	_ =	shalt  }
0x71: {  	_ =	shalt  }
0x72: {  	_ =	shalt  }
0x73: {  	_ =	shalt  }
0x74: {  	_ =	shalt  }
0x75: {  	_ =	shalt  }
0x76: {  	_ =	shalt  }
0x77: {  	_ =	shalt  }
0x78: {  	_ =	shalt  }
0x79: {  	_ =	shalt  }
0x7a: {  	_ =	shalt  }
0x7b: {  	_ =	shalt  }
0x7c: {  	_ =	shalt  }
0x7d: {  	_ =	shalt  }
0x7e: {  	_ =	shalt  }
0x7f: {  	_ =	shalt  }
0x80: {  	_ =	shalt  }
0x81: {  	_ =	shalt  }
0x82: {  	_ =	shalt  }
0x83: {  	_ =	shalt  }
0x84: {  	_ =	shalt  }
0x85: {  	_ =	shalt  }
0x86: {  	_ =	shalt  }
0x87: {  	_ =	shalt  }
.Lfunc_end0:
.L_simem_size_0:
called_computation_lowered:
.L_overlay_start_0:
0x88: {  	s2 =	sld [smem:$0x3FD9]  }
0x89: {  	s3 =	sld [smem:$0x3FFE];
	_ =	sdelay $0x1  }
0x8a: {  	s1 =	srdreg.scid  }
0x8b: {  	s0 =	sand.u32 $0x1, s1  }
0x8c: {  	s14 =	sshll.u32 s0, $0xA;
	s2 =	sadd.s32 s3, s2  }
0x8d: {  	s2 =	sadd.s32 s2, s14  }
0x8e: {  	[smem:$0x3FBB] =	sst s2  }
0x8f: {  	_ = 	snop  }
0x90: {  	s2 =	sld [smem:$0x3FD0];
	_ =	sdelay $0x1  }
0x91: {  	s15 =	sld [smem:$0x3FC9]  }
0x92: {  	s5 =	simm.s32 $0xA;
	s6 =	simm.s32 $0x10;
	s4 =	sld [smem:$0x3FBF]  }
0x93: {  	[smem:s6], [sflag:s5] =	dma.local [hbm:s2], $0x1  }
0x94: {  	_ =	swait.eq [sflag:s5], $0x1  }
0x95: {  	s16 =	sld [smem:$0x10];
	[sflag:s5] =	ssyncset.done $0x0  }
0x96: {  	s17 =	sld [smem:$0x12];
	[sflag:s5] =	ssyncadd.s32 $0xFFFFFFFF  }
0x97: {  	s18 =	sld [smem:$0x16];
	(tm) =	ssettm $0x1  }
0x98: {  	s7 =	sld [smem:$0x3FFB];
	_ =	sdelay $0x3  }
0x99: {  	_ =	strace s7  }
0x9a: {  	s7 =	sld [smem:$0x3FFC];
	_ =	sdelay $0x3  }
0x9b: {  	_ =	strace s7  }
0x9c: {  	s7 =	sld [smem:$0x3FFD];
	_ =	sdelay $0x3  }
0x9d: {  	_ =	strace s7  }
0x9e: {  	_ =	strace $0x8FFFFFFF  }
0x9f: {  	s19 =	sld [smem:$0x3FDB];
	_ =	sdelay $0x1  }
0xa0: {  	s8 =	simm.s32 $_scs_section_size  }
0xa1: {  	s9 =	simm.s32 $_size__tile_overlayer_lowered;
	s10 =	simm.s32 $_tile_overlayer_lowered  }
0xa2: {  	s22 =	simm.s32 $0x1BFF;
	s21 =	sshll.u32 s10, $0x1;
	s7 =	sadd.s32 s8, s19  }
0xa3: {  	s11 =	simm.s32 $0x0;
	s20 =	sshll.u32 s9, $0x1;
	s9 =	sadd.s32 s21, s7  }
0xa4: {  	[timem:s11], [sflag:s22] =	dma.local [hbm:s9], s20  }
0xa5: {  	_ =	swait.ge [sflag:s22], s20  }
0xa6: {  	s8 =	ssub.s32 $0x0, s20;
	[sflag:s22] =	ssyncset.done $0x0  }
0xa7: {  	[sflag:s22] =	ssyncadd.s32 s8;
	_ =	sdelay $0x1  }
0xa8: {  	s23 =	simm.s32 $0x1B8B  }
0xa9: {  	_ =	swait.ge [sflag:s23], $0x1  }
0xaa: {  	[sflag:s23] =	ssyncset.done $0x0  }
0xab: {  	s25 =	simm.s32 $0x1B8E;
	s24 =	sld [smem:$0x3FFE];
	[sflag:s23] =	ssyncadd.s32 $0xFFFFFFFF  }
0xac: {  	s26 =	simm.s32 $execute0_lowered;
	[smem:$0x3FD2] =	sst s25  }
0xad: {  	s9 =	sshll.u32 s26, $0x1;
	_ =	strace $0x80000046;
	[dreg:$0x1] =	wrdreg $0xFFFFFFFF  }
0xae: {  	s28 =	simm.s32 $_size_execute0_lowered;
	s7 =	sadd.s32 s7, s9;
	[dreg:$0x0] =	wrdreg $0x0  }
0xaf: {  	s9 =	sshll.u32 s28, $0x1;
	[dreg:$0x2] =	wrdreg s7  }
0xb0: {  	[dreg:$0x3] =	wrdreg s9  }
0xb1: {  	[dreg:$0x4] =	wrdreg $0xC0  }
0xb2: {  	_ =	task [dreg:s11], $0x5FFFF  }
0xb3: {  	[dreg:$0x1] =	wrdreg $0xFFFFFFFF  }
0xb4: {  	[dreg:$0x0] =	wrdreg $0x60  }
0xb5: {  	[dreg:$0x2] =	wrdreg s18  }
0xb6: {  	[dreg:$0x3] =	wrdreg s24  }
0xb7: {  	[dreg:$0x4] =	wrdreg s15  }
0xb8: {  	[dreg:$0x5] =	wrdreg s4  }
0xb9: {  	[dreg:$0x6] =	wrdreg s17  }
0xba: {  	[dreg:$0x7] =	wrdreg s16  }
0xbb: {  	[dreg:$0x8] =	wrdreg $0x68000  }
0xbc: {  	[dreg:$0x9] =	wrdreg $0x9  }
0xbd: {  	_ =	task.clear_ibuf [dreg:s11], $0xAFFFF;
	_ =	strace $0x90000046  }
0xbe: {  	s29 =	simm.s32 $0x9;
	_ =	strace $0x80000048  }
0xbf: {  	_ =	swait.ge [sflag:s29], $0x1  }
0xc0: {  	[sflag:s29] =	ssyncadd.s32 $0xFFFFFFFF  }
0xc1: {  	_ =	strace $0x90000048  }
0xc2: {  	_ =	sfence  }
0xc3: {  	s30 =	sld [smem:$0x0];
	_ =	sdelay $0x2  }
0xc4: {  	s31 =	sshll.u32 s1, $0xD;
	s1 =	sshrl.u32 s1, $0x2  }
0xc5: {  	s3 =	sand.u32 $0x4000, s31;
	s1 =	sadd.s32 s1, s30  }
0xc6: {  	s0 =	sor.u32 s3, s0;
	s1 =	sshll.u32 s1, $0x11  }
0xc7: {  	s0 =	sor.u32 s1, s0  }
0xc8: {  	s0 =	sadd.s32 $0x8F2B, s0  }
0xc9: {  	[sflag:s0] =	ssyncadd.remote.s32 $0x1  }
0xca: {  	_ =	sfence.sel $0xFFFF  }
0xcb: {  	[dreg:$0x0] =	wrdreg $0xFFFFFFFF;
	(pc) =	sbr.abs _section_cstart, $3  }
0xcc: {  	[dreg:$0x1] =	wrdreg $0xFFFFFFFF  }
0xcd: {  	_ =	task.clear_ibuf [dreg:s11], $0x2FFFF;
	_ =	strace $0x9FFFFFFF  }
0xce: {  	(tm) =	ssettm $0x7FFFFFFF  }
0xcf: {  	_ =	shalt  }
tec
execute0_lowered:
.L_overlay_start_1:
0x0: {  	(tag) =	ssettag $0x1  }
0x1: {  	s0 =	rddreg [dreg:$0x0]  }
0x2: {  	s1 =	rddreg [dreg:$0x1]  }
0x3: {  	s10 =	rddreg [dreg:$0x6];
	s8 =	simm.s32 $0x0  }
0x4: {  	s2 =	srdreg.scid;
	s11 =	stileid.u32;
	s29 =	simm.s32 $0x300  }
0x5: {  	[smem:$0x7FF] =	sst s8;
	s2 =	sand.u32 $0x1, s2;
	s5 =	smul.u32 $0x14000, s11  }
0x6: {  	s6 =	sadd.s32 $0xF4400, s1;
	s9 =	smul.u32 $0x50000, s11;
	s17 =	sshll.u32 s11, $0x1  }
0x7: {  	p0 =	seq.s32 s11, $0xF;
	s20 =	sadd.s32 $0x7EE00, s1;
	s21 =	sadd.s32 $0xCD200, s1  }
0x8: {  	s22 =	sadd.s32 $0x1E00, s1;
	s1 =	sadd.s32 $0x12C000, s10;
	s3 =	smul.u32 $0x138800, s2  }
0x9: {  	_ =	strace $0x80000047;
	s4 =	ssub.s32 $0x2, s2;
	s2 =	sor.u32 s2, s17  }
0xa: {  	[dreg:$0x14] =	wrdreg s1;
	s7 =	sshrl.u32 s4, $0x1;
	s18 =	sshrl.u32 s9, $0x2  }
0xb: {  	s23 =	smul.u32 $0xFA, s2;
	s4 =	ssub.s32 s4, s7;
	s5 =	sadd.s32 s5, s3  }
0xc: {  	s9 =	sadd.s32 s18, s10;
	s3 =	sshrl.u32 s3, $0x3;
	s5 =	sshrl.u32 s5, $0x3  }
0xd: {  	s3 =	sadd.s32 s6, s3;
	s7 =	sadd.s32 $0x8C00, s9;
	s12 =	sadd.s32 $0xA000, s9  }
0xe: {  	s13 =	sadd.s32 $0xB400, s9;
	s14 =	sadd.s32 $0xC800, s9;
	s15 =	sadd.s32 $0xDC00, s9  }
0xf: {  	s16 =	sadd.s32 $0xF000, s9;
	s17 =	sadd.s32 $0x10400, s9;
	s18 =	sadd.s32 $0x11800, s9  }
0x10: {  	s19 =	sadd.s32 $0x12C00, s9;
	s24 =	smax.u32 s4, $0x1;
	[dreg:$0x9] =	wrdreg s9  }
0x11: {  	s2 =	sadd.s32 $0x7800, s9;
	s25 =	sadd.s32 $0x1400, s9;
	[dreg:$0x16] =	wrdreg s24  }
0x12: {  	s26 =	sadd.s32 $0x2800, s9;
	s28 =	sadd.s32 $0x3C00, s9;
	[dreg:$0x17] =	wrdreg s25  }
0x13: {  	s30 =	sadd.s32 $0x5000, s9;
	s31 =	sadd.s32 $0x6400, s9;
	[dreg:$0x18] =	wrdreg s26  }
0x14: {  	s4 =	simm.s32 $0x4;
	s5 =	sadd.s32 s6, s5;
	[dreg:$0x19] =	wrdreg s28  }
0x15: {  	s6 =	sadd.s32 $0x12E800, s10;
	s2 =	smov.u32 @p0 s1;
	[dreg:$0x1a] =	wrdreg s30  }
0x16: {  	[dreg:$0x1b] =	wrdreg s31;
	s24 =	simm.s32 $0x28;
	s25 =	simm.s32 $0x6780  }
0x17: {  	s26 =	simm.s32 $0x280;
	[dreg:$0x8] =	wrdreg s5;
	s5 =	sadd.s32 $0x12D400, s10  }
0x18: {  	s12 =	smov.u32 @p0 s6;
	s6 =	sadd.s32 $0x131000, s10;
	[dreg:$0x15] =	wrdreg s2  }
0x19: {  	s7 =	smov.u32 @p0 s5;
	s5 =	sadd.s32 $0x12FC00, s10;
	[dreg:$0xb] =	wrdreg s12  }
0x1a: {  	s14 =	smov.u32 @p0 s6;
	s6 =	sadd.s32 $0x133800, s10;
	s12 =	simm.s32 $0x2B80  }
0x1b: {  	[dreg:$0xa] =	wrdreg s7;
	s13 =	smov.u32 @p0 s5;
	s5 =	sadd.s32 $0x132400, s10  }
0x1c: {  	[dreg:$0xd] =	wrdreg s14;
	s16 =	smov.u32 @p0 s6;
	s6 =	sadd.s32 $0x136000, s10  }
0x1d: {  	s7 =	simm.s32 $0x5380;
	s14 =	simm.s32 $0x3B80;
	[dreg:$0xc] =	wrdreg s13  }
0x1e: {  	s15 =	smov.u32 @p0 s5;
	s5 =	sadd.s32 $0x134C00, s10;
	[dreg:$0xf] =	wrdreg s16  }
0x1f: {  	s18 =	smov.u32 @p0 s6;
	s13 =	simm.s32 $0x3380;
	s16 =	simm.s32 $0x4B80  }
0x20: {  	[dreg:$0xe] =	wrdreg s15;
	s17 =	smov.u32 @p0 s5;
	s5 =	sadd.s32 $0x137400, s10  }
0x21: {  	[dreg:$0x11] =	wrdreg s18;
	s15 =	simm.s32 $0x4380;
	s18 =	simm.s32 $0x1  }
0x22: {  	v3 =	vlaneseq.u32;
	s10 =	simm.s32 $0x0;
	[dreg:$0x10] =	wrdreg s17;
	s19 =	smov.u32 @p0 s5  }
0x23: {  	v0 =	vimm.f32 $0.0e+00;
	vm0 =	vmmov $0xffff;
	v2 =	vshrl.u32 v3, $0x3;
	s17 =	simm.s32 $0x3;
	[dreg:$0x12] =	wrdreg s19;
	s19 =	sadd.s32 $0x25800, s3  }
0x24: {  	v1 =	vand.u32 $0x7, v3;
	v3 =	vor.u32 $0x8, v3;
	v2 =	vmul.u32 $0x8, v2;
	s3 =	simm.s32 $0x0;
	[dreg:$0x13] =	wrdreg s19;
	s19 =	simm.s32 $0x2  }
.LBB2_1:
0x25: {  	[dreg:$0x1c] =	wrdreg s3  }
0x26: {  	s1 =	rddreg [dreg:$0x3]  }
0x27: {  	[tilespmem:s8], [sflag:$0x4] =	stream.linear.gather [hbm4b:s1+s8], $0x80, $0x38;
	[tilespmem:$0x1A080] =	vst v63  }
0x28: {  	_ =	swait.ge [sflag:s4], $0x80  }
0x29: {  	[sflag:s4] =	ssyncset.done $0x0  }
0x2a: {  	[sflag:s4] =	ssyncadd.s32 $0xFFFFFF80  }
0x2b: {  	s2 =	simm.s32 $0x80;
	s11 =	rddreg [dreg:$0x4]  }
0x2c: {  	[tilespmem:s2], [sflag:$0x4] =	stream.linear.gather [hbm4b:s11+s8], $0x80, $0x38;
	[tilespmem:$0x1A080] =	vst v63  }
0x2d: {  	s28 =	sand.u32 $0x7E00, s8;
	s30 =	sand.u32 $0x70, s8;
	_ =	swait.ge [sflag:s4], $0x80  }
0x2e: {  	s31 =	sshrl.u32 s28, $0x2;
	s1 =	simm.s32 $0x40;
	[sflag:s4] =	ssyncset.done $0x0  }
0x2f: {  	s3 =	sor.u32 s30, s31;
	s2 =	simm.s32 $0x0;
	[sflag:s4] =	ssyncadd.s32 $0xFFFFFF80  }
.LBB2_2:
0x30: {  	p1 =	sne.s32 s1, $0x4FC0  }
0x31: {  	[tilespmem:s3+$0x5380] =	vst v0;
	s2 =	sadd.s32 $0x10, s2;
	s3 =	smov.u32 s1;
	s1 =	sadd.s32 $0x40, s1  }
.Ltmp0:
0x32: {  	(pc) =	sbr.rel @p1 .LBB2_2-.Ltmp0, $4  }
0x33: {  	_ = 	snop  }
0x34: {  	s3 =	sand.u32 $0x7E00, s3  }
0x35: {  	s5 =	sand.u32 $0x70, s2;
	s3 =	sshrl.u32 s3, $0x2  }
0x36: {  	s3 =	sor.u32 s5, s3  }
0x37: {  	[tilespmem:s3+$0x5380] =	vst v0;
	s1 =	simm.s32 @!p0 $0x5380;
	s2 =	simm.s32 @!p0 $0x4  }
0x38: {  	[spmem:s9] =	stream.linear.scatter @!p0 [tilespmem:s1], [sflag:$0x4], $0x1400, $0x38;
	[tilespmem:$0x1A080] =	vst v63  }
0x39: {  	_ =	swait.ge @!p0 [sflag:s2], $0x1400  }
0x3a: {  	[sflag:s2] =	ssyncset.done @!p0 $0x0  }
0x3b: {  	s3 =	rddreg [dreg:$0x17];
	[sflag:s2] =	ssyncadd.s32 @!p0 $0xFFFFEC00  }
0x3c: {  	[spmem:s3] =	stream.linear.scatter @!p0 [tilespmem:s1], [sflag:$0x4], $0x1400, $0x38;
	[tilespmem:$0x1A080] =	vst v63  }
0x3d: {  	_ =	swait.ge @!p0 [sflag:s2], $0x1400  }
0x3e: {  	[sflag:s2] =	ssyncset.done @!p0 $0x0  }
0x3f: {  	s3 =	rddreg [dreg:$0x18];
	[sflag:s2] =	ssyncadd.s32 @!p0 $0xFFFFEC00  }
0x40: {  	[spmem:s3] =	stream.linear.scatter @!p0 [tilespmem:s1], [sflag:$0x4], $0x1400, $0x38;
	[tilespmem:$0x1A080] =	vst v63  }
0x41: {  	_ =	swait.ge @!p0 [sflag:s2], $0x1400  }
0x42: {  	[sflag:s2] =	ssyncset.done @!p0 $0x0  }
0x43: {  	s3 =	rddreg [dreg:$0x19];
	[sflag:s2] =	ssyncadd.s32 @!p0 $0xFFFFEC00  }
0x44: {  	[spmem:s3] =	stream.linear.scatter @!p0 [tilespmem:s1], [sflag:$0x4], $0x1400, $0x38;
	[tilespmem:$0x1A080] =	vst v63  }
0x45: {  	_ =	swait.ge @!p0 [sflag:s2], $0x1400  }
0x46: {  	[sflag:s2] =	ssyncset.done @!p0 $0x0  }
0x47: {  	s3 =	rddreg [dreg:$0x1a];
	[sflag:s2] =	ssyncadd.s32 @!p0 $0xFFFFEC00  }
0x48: {  	[spmem:s3] =	stream.linear.scatter @!p0 [tilespmem:s1], [sflag:$0x4], $0x1400, $0x38;
	[tilespmem:$0x1A080] =	vst v63  }
0x49: {  	_ =	swait.ge @!p0 [sflag:s2], $0x1400  }
0x4a: {  	[sflag:s2] =	ssyncset.done @!p0 $0x0  }
0x4b: {  	s3 =	rddreg [dreg:$0x1b];
	[sflag:s2] =	ssyncadd.s32 @!p0 $0xFFFFEC00  }
0x4c: {  	[spmem:s3] =	stream.linear.scatter @!p0 [tilespmem:s1], [sflag:$0x4], $0x1400, $0x38;
	[tilespmem:$0x1A080] =	vst v63  }
0x4d: {  	_ =	swait.ge @!p0 [sflag:s2], $0x1400  }
0x4e: {  	[sflag:s2] =	ssyncset.done @!p0 $0x0  }
0x4f: {  	s31 =	rddreg [dreg:$0x15];
	[sflag:s2] =	ssyncadd.s32 @!p0 $0xFFFFEC00  }
0x50: {  	[spmem:s31] =	stream.linear.scatter [tilespmem:s7], [sflag:$0x4], $0x1400, $0x38;
	[tilespmem:$0x1A080] =	vst v63  }
0x51: {  	_ =	swait.ge [sflag:s4], $0x1400  }
0x52: {  	[sflag:s4] =	ssyncset.done $0x0  }
0x53: {  	s2 =	rddreg [dreg:$0xa];
	[sflag:s4] =	ssyncadd.s32 $0xFFFFEC00  }
0x54: {  	[spmem:s2] =	stream.linear.scatter [tilespmem:s7], [sflag:$0x4], $0x1400, $0x38;
	[tilespmem:$0x1A080] =	vst v63  }
0x55: {  	_ =	swait.ge [sflag:s4], $0x1400  }
0x56: {  	[sflag:s4] =	ssyncset.done $0x0  }
0x57: {  	s3 =	rddreg [dreg:$0xb];
	[sflag:s4] =	ssyncadd.s32 $0xFFFFEC00  }
0x58: {  	[spmem:s3] =	stream.linear.scatter [tilespmem:s7], [sflag:$0x4], $0x1400, $0x38;
	[tilespmem:$0x1A080] =	vst v63  }
0x59: {  	_ =	swait.ge [sflag:s4], $0x1400  }
0x5a: {  	[sflag:s4] =	ssyncset.done $0x0  }
0x5b: {  	s5 =	rddreg [dreg:$0xc];
	[sflag:s4] =	ssyncadd.s32 $0xFFFFEC00  }
0x5c: {  	[spmem:s5] =	stream.linear.scatter [tilespmem:s7], [sflag:$0x4], $0x1400, $0x38;
	[tilespmem:$0x1A080] =	vst v63  }
0x5d: {  	_ =	swait.ge [sflag:s4], $0x1400  }
0x5e: {  	[sflag:s4] =	ssyncset.done $0x0  }
0x5f: {  	s6 =	rddreg [dreg:$0xd];
	[sflag:s4] =	ssyncadd.s32 $0xFFFFEC00  }
0x60: {  	[spmem:s6] =	stream.linear.scatter [tilespmem:s7], [sflag:$0x4], $0x1400, $0x38;
	[tilespmem:$0x1A080] =	vst v63  }
0x61: {  	_ =	swait.ge [sflag:s4], $0x1400  }
0x62: {  	[sflag:s4] =	ssyncset.done $0x0  }
0x63: {  	s9 =	rddreg [dreg:$0xe];
	[sflag:s4] =	ssyncadd.s32 $0xFFFFEC00  }
0x64: {  	[spmem:s9] =	stream.linear.scatter [tilespmem:s7], [sflag:$0x4], $0x1400, $0x38;
	[tilespmem:$0x1A080] =	vst v63  }
0x65: {  	_ =	swait.ge [sflag:s4], $0x1400  }
0x66: {  	[sflag:s4] =	ssyncset.done $0x0  }
0x67: {  	s11 =	rddreg [dreg:$0xf];
	[sflag:s4] =	ssyncadd.s32 $0xFFFFEC00  }
0x68: {  	[spmem:s11] =	stream.linear.scatter [tilespmem:s7], [sflag:$0x4], $0x1400, $0x38;
	[tilespmem:$0x1A080] =	vst v63  }
0x69: {  	_ =	swait.ge [sflag:s4], $0x1400  }
0x6a: {  	[sflag:s4] =	ssyncset.done $0x0  }
0x6b: {  	s28 =	rddreg [dreg:$0x10];
	[sflag:s4] =	ssyncadd.s32 $0xFFFFEC00  }
0x6c: {  	[spmem:s28] =	stream.linear.scatter [tilespmem:s7], [sflag:$0x4], $0x1400, $0x38;
	[tilespmem:$0x1A080] =	vst v63  }
0x6d: {  	_ =	swait.ge [sflag:s4], $0x1400  }
0x6e: {  	[sflag:s4] =	ssyncset.done $0x0  }
0x6f: {  	s30 =	rddreg [dreg:$0x11];
	[sflag:s4] =	ssyncadd.s32 $0xFFFFEC00  }
0x70: {  	[spmem:s30] =	stream.linear.scatter [tilespmem:s7], [sflag:$0x4], $0x1400, $0x38;
	[tilespmem:$0x1A080] =	vst v63  }
0x71: {  	_ =	swait.ge [sflag:s4], $0x1400  }
0x72: {  	[sflag:s4] =	ssyncset.done $0x0  }
0x73: {  	s31 =	rddreg [dreg:$0x12];
	[sflag:s4] =	ssyncadd.s32 $0xFFFFEC00  }
0x74: {  	[spmem:s31] =	stream.linear.scatter [tilespmem:s7], [sflag:$0x4], $0x1400, $0x38;
	[tilespmem:$0x1A080] =	vst v63  }
0x75: {  	_ =	swait.ge [sflag:s4], $0x1400  }
0x76: {  	[sflag:s4] =	ssyncset.done $0x0  }
0x77: {  	[sflag:s4] =	ssyncadd.s32 $0xFFFFEC00  }
0x78: {  	[bflag:$0x0] =	sbarrier.arrive $0xFFFF  }
0x79: {  	v4 =	vld [tilespmem:$0x0]  }
0x7a: {  	v5 =	vld [tilespmem:$0x10]  }
0x7b: {  	v6 =	vld [tilespmem:$0x20]  }
0x7c: {  	v7 =	vld [tilespmem:$0x30]  }
0x7d: {  	v8 =	vld [tilespmem:$0x40]  }
0x7e: {  	v9 =	vld [tilespmem:$0x50]  }
0x7f: {  	v10 =	vld [tilespmem:$0x60]  }
0x80: {  	v11 =	vld [tilespmem:$0x70]  }
0x81: {  	s2 =	simm.s32 $0x0;
	v12 =	vld [tilespmem:$0x80]  }
.LBB2_4:
0x82: {  	s5 =	sadd.s32 s23, s2  }
0x83: {  	s1 =	sshll.u32 s5, $0x6  }
0x84: {  	s3 =	simm.s32 $0x100;
	s1 =	sadd.s32 s22, s1  }
0x85: {  	[tilespmem:s3], [sflag:$0x4] =	stream.linear.gather [hbm4b:s1+s10], $0x200, $0x38;
	[tilespmem:$0x1A080] =	vst v63  }
0x86: {  	_ =	swait.ge [sflag:s4], $0x200  }
0x87: {  	[sflag:s4] =	ssyncset.done $0x0  }
0x88: {  	[sflag:s4] =	ssyncadd.s32 $0xFFFFFE00  }
0x89: {  	s11 =	simm.s32 $0x200;
	s9 =	rddreg [dreg:$0x2]  }
0x8a: {  	[tilespmem:s29], [sflag:$0x3] =	stream.indirect.gather [hbm4b:s9+s24], $0x1, s11, s24, $0xb8;
	[tilespmem:$0x1A080] =	vst v63  }
0x8b: {  	v13 =	vld [tilespmem:$0x100];
	_ =	sdelay $0x4  }
0x8c: {  	v14 =	vshll.u32 v13, $0x1  }
0x8d: {  	v13 =	vand.u32 $0x7, v13;
	v14 =	vand.u32 $0xFFFFFFF0, v14  }
0x8e: {  	v13 =	vor.u32 v13, v14  }
0x8f: {  	v14 =	vperm.xlane v13, v1;
	_ =	sdelay $0x1  }
0x90: {  	v13 =	vperm.xlane v13, v3;
	v14 =	vadd.s32 v2, v14;
	_ =	sdelay $0x1  }
0x91: {  	v13 =	vadd.s32 v2, v13;
	_ =	sdelay $0x1  }
0x92: {  	s6 =	simm.s32 $0x380  }
0x93: {  	[tilespmem:s6], [sflag:$0x1] =	stream.indirect_vreg.gather [hbm4b:s0+s10], $0x80, v14, vm0, $0xb8;
	[tilespmem:$0x1A080] =	vst v63  }
0x94: {  	s9 =	simm.s32 $0xB80  }
0x95: {  	[tilespmem:s9], [sflag:$0x1] =	stream.indirect_vreg.gather [hbm4b:s0+s10], $0x80, v13, vm0, $0xb8;
	[tilespmem:$0x1A080] =	vst v63  }
0x96: {  	v13 =	vld [tilespmem:$0x110];
	_ =	sdelay $0x4  }
0x97: {  	v14 =	vshll.u32 v13, $0x1  }
0x98: {  	v13 =	vand.u32 $0x7, v13;
	v14 =	vand.u32 $0xFFFFFFF0, v14  }
0x99: {  	v13 =	vor.u32 v13, v14  }
0x9a: {  	v14 =	vperm.xlane v13, v1;
	_ =	sdelay $0x1  }
0x9b: {  	v13 =	vperm.xlane v13, v3;
	v14 =	vadd.s32 v2, v14;
	_ =	sdelay $0x1  }
0x9c: {  	v13 =	vadd.s32 v2, v13;
	_ =	sdelay $0x1  }
0x9d: {  	s11 =	simm.s32 $0x1380  }
0x9e: {  	[tilespmem:s11], [sflag:$0x1] =	stream.indirect_vreg.gather [hbm4b:s0+s10], $0x80, v14, vm0, $0xb8;
	[tilespmem:$0x1A080] =	vst v63  }
0x9f: {  	s3 =	simm.s32 $0x1B80  }
0xa0: {  	[tilespmem:s3], [sflag:$0x1] =	stream.indirect_vreg.gather [hbm4b:s0+s10], $0x80, v13, vm0, $0xb8;
	[tilespmem:$0x1A080] =	vst v63  }
0xa1: {  	v13 =	vld.msk [tilespmem:$0x120], $0xff;
	_ =	sdelay $0x4  }
0xa2: {  	v14 =	vshll.u32 v13, $0x1  }
0xa3: {  	v13 =	vand.u32 $0x7, v13;
	v14 =	vand.u32 $0xFFFFFFF0, v14  }
0xa4: {  	v13 =	vor.u32 v13, v14  }
0xa5: {  	v13 =	vperm.xlane v13, v1;
	_ =	sdelay $0x1  }
0xa6: {  	v13 =	vadd.s32 v2, v13;
	_ =	sdelay $0x3  }
0xa7: {  	s6 =	simm.s32 $0x2380  }
0xa8: {  	[tilespmem:s6], [sflag:$0x1] =	stream.indirect_vreg.gather [hbm4b:s0+s10], $0x80, v13, vm0, $0xb8;
	[tilespmem:$0x1A080] =	vst v63  }
0xa9: {  	v13 =	vld [tilespmem:$0x180];
	_ =	sdelay $0x4  }
0xaa: {  	v14 =	vshll.u32 v13, $0x1  }
0xab: {  	v13 =	vand.u32 $0x7, v13;
	v14 =	vand.u32 $0xFFFFFFF0, v14  }
0xac: {  	v13 =	vor.u32 v13, v14  }
0xad: {  	v14 =	vperm.xlane v13, v1;
	_ =	sdelay $0x1  }
0xae: {  	v13 =	vperm.xlane v13, v3;
	v14 =	vadd.s32 v2, v14;
	_ =	sdelay $0x1  }
0xaf: {  	v13 =	vadd.s32 v2, v13;
	_ =	sdelay $0x2  }
0xb0: {  	[tilespmem:s12], [sflag:$0x2] =	stream.indirect_vreg.gather [hbm4b:s20+s10], $0x80, v14, vm0, $0xb8;
	[tilespmem:$0x1A080] =	vst v63  }
0xb1: {  	_ = 	snop  }
0xb2: {  	[tilespmem:s13], [sflag:$0x2] =	stream.indirect_vreg.gather [hbm4b:s20+s10], $0x80, v13, vm0, $0xb8;
	[tilespmem:$0x1A080] =	vst v63  }
0xb3: {  	v13 =	vld [tilespmem:$0x190];
	_ =	sdelay $0x4  }
0xb4: {  	v14 =	vshll.u32 v13, $0x1  }
0xb5: {  	v13 =	vand.u32 $0x7, v13;
	v14 =	vand.u32 $0xFFFFFFF0, v14  }
0xb6: {  	v13 =	vor.u32 v13, v14  }
0xb7: {  	v14 =	vperm.xlane v13, v1;
	_ =	sdelay $0x1  }
0xb8: {  	v13 =	vperm.xlane v13, v3;
	v14 =	vadd.s32 v2, v14;
	_ =	sdelay $0x1  }
0xb9: {  	v13 =	vadd.s32 v2, v13;
	_ =	sdelay $0x2  }
0xba: {  	[tilespmem:s14], [sflag:$0x2] =	stream.indirect_vreg.gather [hbm4b:s20+s10], $0x80, v14, vm0, $0xb8;
	[tilespmem:$0x1A080] =	vst v63  }
0xbb: {  	_ = 	snop  }
0xbc: {  	[tilespmem:s15], [sflag:$0x2] =	stream.indirect_vreg.gather [hbm4b:s20+s10], $0x80, v13, vm0, $0xb8;
	[tilespmem:$0x1A080] =	vst v63  }
0xbd: {  	v13 =	vld.msk [tilespmem:$0x1A0], $0xff;
	_ =	sdelay $0x4  }
0xbe: {  	v14 =	vshll.u32 v13, $0x1  }
0xbf: {  	v13 =	vand.u32 $0x7, v13;
	v14 =	vand.u32 $0xFFFFFFF0, v14  }
0xc0: {  	v13 =	vor.u32 v13, v14  }
0xc1: {  	v13 =	vperm.xlane v13, v1;
	_ =	sdelay $0x1  }
0xc2: {  	v13 =	vadd.s32 v2, v13;
	_ =	sdelay $0x4  }
0xc3: {  	[tilespmem:s16], [sflag:$0x2] =	stream.indirect_vreg.gather [hbm4b:s20+s10], $0x80, v13, vm0, $0xb8;
	[tilespmem:$0x1A080] =	vst v63  }
0xc4: {  	_ =	swait.ge [sflag:s17], $0x28  }
0xc5: {  	[sflag:s17] =	ssyncset.done $0x0  }
0xc6: {  	[sflag:s17] =	ssyncadd.s32 $0xFFFFFFD8  }
0xc7: {  	[tilespmem:s7], [sflag:$0x3] =	stream.indirect.gather [hbm4b:s21+s24], $0x80, s29, s24, $0xb8;
	[tilespmem:$0x1A080] =	vst v63  }
0xc8: {  	_ =	swait.ge [sflag:s18], $0x2800  }
0xc9: {  	[sflag:s18] =	ssyncset.done $0x0  }
0xca: {  	[sflag:s18] =	ssyncadd.s32 $0xFFFFD800  }
0xcb: {  	_ =	swait.ge [sflag:s19], $0x2800  }
0xcc: {  	[sflag:s19] =	ssyncset.done $0x0  }
0xcd: {  	[sflag:s19] =	ssyncadd.s32 $0xFFFFD800  }
0xce: {  	_ =	swait.ge [sflag:s17], $0x1400  }
0xcf: {  	[sflag:s17] =	ssyncset.done $0x0  }
0xd0: {  	s6 =	simm.s32 $0x53C0;
	[sflag:s17] =	ssyncadd.s32 $0xFFFFEC00  }
0xd1: {  	v13 =	vld [tilespmem:s6+$0x20]  }
0xd2: {  	v14 =	vld [tilespmem:s6+$0x10]  }
0xd3: {  	v15 =	vld [tilespmem:s6+$0x0]  }
0xd4: {  	s9 =	sand.u32 $0x3800, s10;
	s11 =	sand.u32 $0x380, s10;
	v16 =	vld [tilespmem:s6+$0xFFFFFFF0]  }
0xd5: {  	s9 =	sor.u32 s11, s9;
	v17 =	vld [tilespmem:s6+$0xFFFFFFD0]  }
0xd6: {  	v18 =	vld [tilespmem:s9+$0x790]  }
0xd7: {  	v19 =	vld [tilespmem:s9+$0x2F90]  }
0xd8: {  	v20 =	vld [tilespmem:s9+$0x780]  }
0xd9: {  	v21 =	vld [tilespmem:s9+$0x2F80]  }
0xda: {  	v22 =	vld [tilespmem:s6+$0xFFFFFFE0]  }
0xdb: {  	v23 =	vld [tilespmem:s6+$0xFFFFFFC0]  }
0xdc: {  	v24 =	vld [tilespmem:s9+$0x2FA0]  }
0xdd: {  	v25 =	vld [tilespmem:s9+$0x7A0]  }
0xde: {  	v46 =	vld [tilespmem:s9+$0x2FB0];
	v20 =	vadd.f32 v21, v20  }
0xdf: {  	v26 =	vld [tilespmem:s9+$0x7B0]  }
0xe0: {  	v48 =	vld [tilespmem:s9+$0x2FC0];
	v18 =	vadd.f32 v19, v18;
	v47 =	vadd.f32 v23, v20  }
0xe1: {  	v49 =	vld [tilespmem:s9+$0x7C0]  }
0xe2: {  	v52 =	vld [tilespmem:s9+$0x2FD0];
	v51 =	vadd.f32 v24, v25;
	v17 =	vadd.f32 v17, v18;
	v50 =	vmax.f32 v47, $0.0e+00  }
0xe3: {  	v53 =	vld [tilespmem:s9+$0x7D0];
	v18 =	vmul.f32 v50, v4  }
0xe4: {  	v54 =	vld [tilespmem:s9+$0x2FE0];
	v21 =	vadd.f32 v46, v26;
	v19 =	vadd.f32 v22, v51;
	v17 =	vmax.f32 v17, $0.0e+00  }
0xe5: {  	v55 =	vld [tilespmem:s9+$0x7E0];
	v17 =	vmul.f32 v17, v5;
	v18 =	vadd.f32 v18, v12  }
0xe6: {  	v56 =	vld [tilespmem:s9+$0x2FF0];
	v16 =	vadd.f32 v16, v21;
	v20 =	vadd.f32 v48, v49;
	v19 =	vmax.f32 v19, $0.0e+00  }
0xe7: {  	v58 =	vld [tilespmem:s9+$0x7F0];
	v57 =	vmul.f32 v19, v6;
	v17 =	vadd.f32 v17, v18  }
0xe8: {  	v59 =	vadd.f32 v52, v53;
	v16 =	vmax.f32 v16, $0.0e+00;
	v15 =	vadd.f32 v15, v20  }
0xe9: {  	v60 =	vld [tilespmem:s6+$0x30];
	v16 =	vmul.f32 v16, v7;
	v17 =	vadd.f32 v57, v17  }
0xea: {  	v61 =	vadd.f32 v54, v55;
	v14 =	vadd.f32 v14, v59;
	v15 =	vmax.f32 v15, $0.0e+00  }
0xeb: {  	v15 =	vmul.f32 v15, v8;
	v16 =	vadd.f32 v16, v17  }
0xec: {  	v62 =	vadd.f32 v56, v58;
	v13 =	vadd.f32 v13, v61;
	v14 =	vmax.f32 v14, $0.0e+00  }
0xed: {  	v14 =	vmul.f32 v14, v9;
	v15 =	vadd.f32 v15, v16  }
0xee: {  	v63 =	vadd.f32 v60, v62;
	v13 =	vmax.f32 v13, $0.0e+00  }
0xef: {  	v13 =	vmul.f32 v13, v10;
	v14 =	vadd.f32 v14, v15  }
0xf0: {  	v15 =	vmax.f32 v63, $0.0e+00  }
0xf1: {  	v13 =	vadd.f32 v13, v14;
	v14 =	vmul.f32 v15, v11;
	_ =	sdelay $0x1  }
0xf2: {  	v13 =	vadd.f32 v14, v13;
	_ =	sdelay $0x1  }
0xf3: {  	(xrf2) =	vadd.scan.msk.f32 $0xffff, v13;
	_ =	sdelay $0x9  }
0xf4: {  	v13, _, _ =	vpop (xrf2)  }
0xf5: {  	v13 =	vsub.f32 $0.0e+00, v13;
	_ =	sdelay $0x1  }
0xf6: {  	v13 =	vmul.f32 $1.442695020e+00, v13;
	_ =	sdelay $0x1  }
0xf7: {  	v13 =	vbroadcast v13, $0xF;
	_ =	sdelay $0x1  }
0xf8: {  	(erf) = vpow2.f32 v13;
	_ =	sdelay $0x8  }
0xf9: {  	v13 =	vpop (erf)  }
0xfa: {  	v13 =	vadd.f32 $1.000000000e+00, v13;
	_ =	sdelay $0x1  }
0xfb: {  	(erf) = vrcp.f32 v13;
	_ =	sdelay $0x4  }
0xfc: {  	v14 =	vmov s10;
	_ =	sdelay $0x3  }
0xfd: {  	v13 =	vpop (erf)  }
0xfe: {  	[tilespmem:v14+s25+$0x0] =	vst.idx.msk $0x1, v13  }
0xff: {  	v14 =	vld [tilespmem:s9+$0x380]  }
0x100: {  	v15 =	vld [tilespmem:s9+$0x2B80];
	_ =	sdelay $0x4  }
0x101: {  	v14 =	vadd.f32 v15, v14;
	_ =	sdelay $0x1  }
0x102: {  	v14 =	vmul.f32 v13, v14;
	_ =	sdelay $0x1  }
0x103: {  	[tilespmem:s6+$0xFFFFFFC0] =	vst v14  }
0x104: {  	v14 =	vld [tilespmem:s9+$0x390]  }
0x105: {  	v15 =	vld [tilespmem:s9+$0x2B90];
	_ =	sdelay $0x4  }
0x106: {  	v14 =	vadd.f32 v15, v14;
	_ =	sdelay $0x1  }
0x107: {  	v14 =	vmul.f32 v13, v14;
	_ =	sdelay $0x1  }
0x108: {  	[tilespmem:s6+$0xFFFFFFD0] =	vst v14  }
0x109: {  	v14 =	vld [tilespmem:s9+$0x3A0]  }
0x10a: {  	v15 =	vld [tilespmem:s9+$0x2BA0];
	_ =	sdelay $0x4  }
0x10b: {  	v14 =	vadd.f32 v15, v14;
	_ =	sdelay $0x1  }
0x10c: {  	v14 =	vmul.f32 v13, v14;
	_ =	sdelay $0x1  }
0x10d: {  	[tilespmem:s6+$0xFFFFFFE0] =	vst v14  }
0x10e: {  	v14 =	vld [tilespmem:s9+$0x3B0]  }
0x10f: {  	v15 =	vld [tilespmem:s9+$0x2BB0];
	_ =	sdelay $0x4  }
0x110: {  	v14 =	vadd.f32 v15, v14;
	_ =	sdelay $0x1  }
0x111: {  	v14 =	vmul.f32 v14, v13;
	_ =	sdelay $0x1  }
0x112: {  	[tilespmem:s6+$0xFFFFFFF0] =	vst v14  }
0x113: {  	v14 =	vld [tilespmem:s9+$0x3C0]  }
0x114: {  	v15 =	vld [tilespmem:s9+$0x2BC0];
	_ =	sdelay $0x4  }
0x115: {  	v14 =	vadd.f32 v15, v14;
	_ =	sdelay $0x1  }
0x116: {  	v14 =	vmul.f32 v14, v13;
	_ =	sdelay $0x1  }
0x117: {  	[tilespmem:s6+$0x0] =	vst v14  }
0x118: {  	v14 =	vld [tilespmem:s9+$0x3D0]  }
0x119: {  	v15 =	vld [tilespmem:s9+$0x2BD0];
	_ =	sdelay $0x4  }
0x11a: {  	v14 =	vadd.f32 v15, v14;
	_ =	sdelay $0x1  }
0x11b: {  	v14 =	vmul.f32 v14, v13;
	_ =	sdelay $0x1  }
0x11c: {  	[tilespmem:s6+$0x10] =	vst v14  }
0x11d: {  	v14 =	vld [tilespmem:s9+$0x3E0]  }
0x11e: {  	v15 =	vld [tilespmem:s9+$0x2BE0];
	_ =	sdelay $0x4  }
0x11f: {  	v14 =	vadd.f32 v15, v14  }
0x120: {  	s30 =	simm.s32 $0x1  }
0x121: {  	s31 =	simm.s32 $0x0;
	s28 =	simm.s32 $0x53C0;
	s1 =	simm.s32 $0x0;
	v14 =	vmul.f32 v14, v13  }
.LBB2_5:
0x122: {  	s31 =	sadd.s32 $0x100, s31;
	s1 =	sadd.s32 $0x80, s1;
	s6 =	sadd.s32 $0x80, s6  }
0x123: {  	p1 =	sne.s32 s30, $0x27;
	s3 =	smov.u32 s30;
	s30 =	sadd.s32 $0x1, s30;
	[tilespmem:s28+$0x20] =	vst v14  }
0x124: {  	v14 =	vld [tilespmem:s9+$0x3F0]  }
0x125: {  	v15 =	vld [tilespmem:s9+$0x2BF0];
	_ =	sdelay $0x4  }
0x126: {  	v16 =	vld [tilespmem:s6+$0x20];
	v14 =	vadd.f32 v15, v14  }
0x127: {  	v15 =	vld [tilespmem:s6+$0x10]  }
0x128: {  	s11 =	sand.u32 $0x380, s1;
	s9 =	sand.u32 $0x3800, s31;
	v17 =	vld [tilespmem:s6+$0x0];
	v13 =	vmul.f32 v14, v13  }
0x129: {  	s9 =	sor.u32 s11, s9;
	v14 =	vld [tilespmem:s6+$0xFFFFFFF0]  }
0x12a: {  	v18 =	vld [tilespmem:s6+$0xFFFFFFD0];
	[tilespmem:s28+$0x30] =	vst v13;
	s28 =	smov.u32 s6  }
0x12b: {  	v13 =	vld [tilespmem:s9+$0x790]  }
0x12c: {  	v19 =	vld [tilespmem:s9+$0x2F90]  }
0x12d: {  	v20 =	vld [tilespmem:s9+$0x780]  }
0x12e: {  	v21 =	vld [tilespmem:s9+$0x2F80]  }
0x12f: {  	v22 =	vld [tilespmem:s6+$0xFFFFFFE0]  }
0x130: {  	v23 =	vld [tilespmem:s6+$0xFFFFFFC0]  }
0x131: {  	v13 =	vadd.f32 v19, v13;
	v19 =	vld [tilespmem:s9+$0x2FA0]  }
0x132: {  	v24 =	vld [tilespmem:s9+$0x7A0]  }
0x133: {  	v20 =	vadd.f32 v21, v20;
	v13 =	vadd.f32 v18, v13;
	v18 =	vld [tilespmem:s9+$0x2FB0]  }
0x134: {  	v21 =	vld [tilespmem:s9+$0x7B0]  }
0x135: {  	v20 =	vadd.f32 v23, v20;
	v13 =	vmax.f32 v13, $0.0e+00;
	v23 =	vld [tilespmem:s9+$0x2FC0]  }
0x136: {  	v13 =	vmul.f32 v13, v5;
	v25 =	vld [tilespmem:s9+$0x7C0]  }
0x137: {  	v20 =	vmax.f32 v20, $0.0e+00;
	v19 =	vadd.f32 v19, v24;
	v24 =	vld [tilespmem:s9+$0x2FD0]  }
0x138: {  	v20 =	vmul.f32 v20, v4;
	v26 =	vld [tilespmem:s9+$0x7D0]  }
0x139: {  	v19 =	vadd.f32 v22, v19;
	v18 =	vadd.f32 v18, v21;
	v21 =	vld [tilespmem:s9+$0x2FE0]  }
0x13a: {  	v20 =	vadd.f32 v20, v12;
	v22 =	vld [tilespmem:s9+$0x7E0]  }
0x13b: {  	v19 =	vmax.f32 v19, $0.0e+00;
	v14 =	vadd.f32 v14, v18;
	v18 =	vadd.f32 v23, v25;
	v23 =	vld [tilespmem:s9+$0x2FF0]  }
0x13c: {  	v13 =	vadd.f32 v13, v20;
	v19 =	vmul.f32 v19, v6;
	v20 =	vld [tilespmem:s9+$0x7F0]  }
0x13d: {  	v14 =	vmax.f32 v14, $0.0e+00;
	v17 =	vadd.f32 v17, v18;
	v18 =	vadd.f32 v24, v26  }
0x13e: {  	v13 =	vadd.f32 v19, v13;
	v14 =	vmul.f32 v14, v7;
	v19 =	vld [tilespmem:s6+$0x30]  }
0x13f: {  	v17 =	vmax.f32 v17, $0.0e+00;
	v15 =	vadd.f32 v15, v18;
	v18 =	vadd.f32 v21, v22  }
0x140: {  	v13 =	vadd.f32 v14, v13;
	v14 =	vmul.f32 v17, v8  }
0x141: {  	v15 =	vmax.f32 v15, $0.0e+00;
	v16 =	vadd.f32 v16, v18;
	v17 =	vadd.f32 v23, v20  }
0x142: {  	v13 =	vadd.f32 v14, v13;
	v14 =	vmul.f32 v15, v9  }
0x143: {  	v15 =	vmax.f32 v16, $0.0e+00;
	v16 =	vadd.f32 v19, v17  }
0x144: {  	v13 =	vadd.f32 v14, v13;
	v14 =	vmul.f32 v15, v10  }
0x145: {  	v15 =	vmax.f32 v16, $0.0e+00  }
0x146: {  	v13 =	vadd.f32 v14, v13;
	v14 =	vmul.f32 v15, v11;
	_ =	sdelay $0x1  }
0x147: {  	v13 =	vadd.f32 v14, v13;
	_ =	sdelay $0x1  }
0x148: {  	(xrf2) =	vadd.scan.msk.f32 $0xffff, v13;
	_ =	sdelay $0x9  }
0x149: {  	v13, _, _ =	vpop (xrf2)  }
0x14a: {  	v13 =	vsub.f32 $0.0e+00, v13;
	_ =	sdelay $0x1  }
0x14b: {  	v13 =	vmul.f32 $1.442695020e+00, v13;
	_ =	sdelay $0x1  }
0x14c: {  	v13 =	vbroadcast v13, $0xF;
	_ =	sdelay $0x1  }
0x14d: {  	(erf) = vpow2.f32 v13;
	_ =	sdelay $0x8  }
0x14e: {  	v13 =	vpop (erf)  }
0x14f: {  	v13 =	vadd.f32 $1.000000000e+00, v13;
	_ =	sdelay $0x1  }
0x150: {  	(erf) = vrcp.f32 v13;
	_ =	sdelay $0x4  }
0x151: {  	v14 =	vmov s3;
	_ =	sdelay $0x3  }
0x152: {  	v13 =	vpop (erf)  }
0x153: {  	[tilespmem:v14+s25+$0x0] =	vst.idx.msk $0x1, v13  }
0x154: {  	v14 =	vld [tilespmem:s9+$0x380]  }
0x155: {  	v15 =	vld [tilespmem:s9+$0x2B80];
	_ =	sdelay $0x4  }
0x156: {  	v14 =	vadd.f32 v15, v14;
	_ =	sdelay $0x1  }
0x157: {  	v14 =	vmul.f32 v13, v14;
	_ =	sdelay $0x1  }
0x158: {  	[tilespmem:s6+$0xFFFFFFC0] =	vst v14  }
0x159: {  	v14 =	vld [tilespmem:s9+$0x390]  }
0x15a: {  	v15 =	vld [tilespmem:s9+$0x2B90];
	_ =	sdelay $0x4  }
0x15b: {  	v14 =	vadd.f32 v15, v14;
	_ =	sdelay $0x1  }
0x15c: {  	v14 =	vmul.f32 v13, v14;
	_ =	sdelay $0x1  }
0x15d: {  	[tilespmem:s6+$0xFFFFFFD0] =	vst v14  }
0x15e: {  	v14 =	vld [tilespmem:s9+$0x3A0]  }
0x15f: {  	v15 =	vld [tilespmem:s9+$0x2BA0];
	_ =	sdelay $0x4  }
0x160: {  	v14 =	vadd.f32 v15, v14;
	_ =	sdelay $0x1  }
0x161: {  	v14 =	vmul.f32 v13, v14;
	_ =	sdelay $0x1  }
0x162: {  	[tilespmem:s6+$0xFFFFFFE0] =	vst v14  }
0x163: {  	v14 =	vld [tilespmem:s9+$0x3B0]  }
0x164: {  	v15 =	vld [tilespmem:s9+$0x2BB0];
	_ =	sdelay $0x4  }
0x165: {  	v14 =	vadd.f32 v15, v14;
	_ =	sdelay $0x1  }
0x166: {  	v14 =	vmul.f32 v14, v13;
	_ =	sdelay $0x1  }
0x167: {  	[tilespmem:s6+$0xFFFFFFF0] =	vst v14  }
0x168: {  	v14 =	vld [tilespmem:s9+$0x3C0]  }
0x169: {  	v15 =	vld [tilespmem:s9+$0x2BC0];
	_ =	sdelay $0x4  }
0x16a: {  	v14 =	vadd.f32 v15, v14;
	_ =	sdelay $0x1  }
0x16b: {  	v14 =	vmul.f32 v14, v13;
	_ =	sdelay $0x1  }
0x16c: {  	[tilespmem:s6+$0x0] =	vst v14  }
0x16d: {  	v14 =	vld [tilespmem:s9+$0x3D0]  }
0x16e: {  	v15 =	vld [tilespmem:s9+$0x2BD0];
	_ =	sdelay $0x4  }
0x16f: {  	v14 =	vadd.f32 v15, v14;
	_ =	sdelay $0x1  }
0x170: {  	v14 =	vmul.f32 v14, v13;
	_ =	sdelay $0x1  }
0x171: {  	[tilespmem:s6+$0x10] =	vst v14  }
0x172: {  	v14 =	vld [tilespmem:s9+$0x3E0]  }
0x173: {  	v15 =	vld [tilespmem:s9+$0x2BE0];
	_ =	sdelay $0x2  }
.Ltmp1:
0x174: {  	(pc) =	sbr.rel @p1 .LBB2_5-.Ltmp1, $3  }
0x175: {  	_ = 	snop  }
0x176: {  	v14 =	vadd.f32 v15, v14;
	_ =	sdelay $0x1  }
0x177: {  	v14 =	vmul.f32 v14, v13  }
0x178: {  	_ = 	snop  }
0x179: {  	[tilespmem:s28+$0x20] =	vst v14  }
0x17a: {  	v14 =	vld [tilespmem:s9+$0x3F0]  }
0x17b: {  	v15 =	vld [tilespmem:s9+$0x2BF0];
	_ =	sdelay $0x4  }
0x17c: {  	v14 =	vadd.f32 v15, v14;
	_ =	sdelay $0x1  }
0x17d: {  	v13 =	vmul.f32 v14, v13;
	_ =	sdelay $0x1  }
0x17e: {  	s1 =	rddreg [dreg:$0x6];
	[tilespmem:s28+$0x30] =	vst v13  }
0x17f: {  	[spmem:s1] =	stream.indirect.scatter.add.f32 [tilespmem:s7], [sflag:$0x4], $0x80, s26, s24, $0xb8;
	[tilespmem:$0x1A080] =	vst v63  }
0x180: {  	_ =	swait.ge [sflag:s4], $0x1400  }
0x181: {  	[sflag:s4] =	ssyncset.done $0x0  }
0x182: {  	s31 =	smul.u32 $0x5, s5;
	s2 =	sadd.s32 $0x1, s2;
	[sflag:s4] =	ssyncadd.s32 $0xFFFFEC00  }
0x183: {  	p1 =	sne.s32 s2, $0xFA;
	s3 =	rddreg [dreg:$0x5]  }
.Ltmp2:
0x184: {  	s1 =	sadd.s32 s3, s31;
	(pc) =	sbr.rel @p1 .LBB2_4-.Ltmp2, $4  }
0x185: {  	[hbm4b:s1+s8] =	stream.linear.scatter [tilespmem:s25], [sflag:$0x4], $0x28, $0x38;
	[tilespmem:$0x1A080] =	vst v63  }
0x186: {  	_ =	swait.ge [sflag:s4], $0x28  }
0x187: {  	[sflag:s4] =	ssyncset.done $0x0  }
0x188: {  	[sflag:s4] =	ssyncadd.s32 $0xFFFFFFD8  }
0x189: {  	[bflag:$0x0] =	sbarrier.arrive $0xFFFF  }
0x18a: {  	s1 =	rddreg [dreg:$0x14]  }
0x18b: {  	s2 =	simm.s32 @p0 $0x1FC4;
	s3 =	rddreg [dreg:$0x13];
	s1 =	sshrl.u32 @p0 s1, $0x3  }
0x18c: {  	[hbm:s3], [sflag:s2] =	dma.local @p0 [spmem:s1], $0x1900  }
0x18d: {  	s1 =	simm.s32 @p0 $0x4  }
0x18e: {  	_ =	swait.ge @p0 [sflag:s1], $0x1900  }
0x18f: {  	s2 =	stileid.u32;
	s9 =	rddreg [dreg:$0x9]  }
0x190: {  	s2 =	sshll.u32 @!p0 s2, $0x6;
	[sflag:s1] =	ssyncset.done @p0 $0x0;
	s3 =	rddreg [dreg:$0x8]  }
0x191: {  	[sflag:s1] =	ssyncadd.s32 @p0 $0xFFFFE700;
	s1 =	sor.u32 @!p0 $0x1C04, s2;
	s2 =	sshrl.u32 @!p0 s9, $0x3  }
0x192: {  	[hbm:s3], [sflag:s1] =	dma.local @!p0 [spmem:s2], $0x2800  }
0x193: {  	s1 =	simm.s32 @!p0 $0x4  }
0x194: {  	_ =	swait.ge @!p0 [sflag:s1], $0x2800  }
0x195: {  	s30 =	rddreg [dreg:$0x1c]  }
0x196: {  	s31 =	rddreg [dreg:$0x16];
	s3 =	sadd.s32 $0x1, s30  }
0x197: {  	p1 =	sne.s32 s3, s31  }
.Ltmp3:
0x198: {  	_ = 	snop;
	(pc) =	sbr.rel @p1 .LBB2_1-.Ltmp3, $3  }
0x199: {  	_ =	sdelay $0x1  }
0x19a: {  	[sflag:s1] =	ssyncset.done @!p0 $0x0  }
0x19b: {  	[sflag:s1] =	ssyncadd.s32 @!p0 $0xFFFFD800  }
0x19c: {  	_ =	sfence.sel $0x180000  }
0x19d: {  	[bflag:$0x0] =	sbarrier.arrive $0xFFFF  }
0x19e: {  	_ =	strace $0x90000047  }
0x19f: {  	s0 =	stileid.u32;
	[bflag:$0x2] =	sbarrier.arrive $0xFFFF  }
0x1a0: {  	p0 =	sne.s32 s0, $0x0;
	s0 =	rddreg [dreg:$0x7]  }
0x1a1: {  	s0 =	sadd.s32 @!p0 $0x100000, s0  }
0x1a2: {  	[sflag:s0] =	ssyncadd.tile.s32 @!p0 $0x1;
	_ =	shalt  }
.Lfunc_end2:
_tile_overlayer_lowered:
.L_overlay_start_2:
0x1a3: {  	(tag) =	ssettag $0x2  }
0x1a4: {  	s0 =	rddreg [dreg:$0x0];
	s2 =	stileid.u32  }
0x1a5: {  	s1 =	rddreg [dreg:$0x1];
	p0 =	sne.s32 s2, $0x0  }
0x1a6: {  	s3 =	rddreg [dreg:$0x2];
	[bflag:$0x3] =	sbarrier.arrive $0xFFFF;
	s2 =	simm.s32 @!p0 $0x1C04  }
0x1a7: {  	[timem:s3], [sflag:s2] =	dma.local @!p0 [hbm:s0], s1  }
0x1a8: {  	s0 =	simm.s32 @!p0 $0x4  }
0x1a9: {  	_ =	swait.ge @!p0 [sflag:s0], s1  }
0x1aa: {  	s1 =	ssub.s32 @!p0 $0x0, s1;
	[sflag:s0] =	ssyncset.done @!p0 $0x0  }
0x1ab: {  	[sflag:s0] =	ssyncadd.s32 @!p0 s1  }
0x1ac: {  	[bflag:$0x3] =	sbarrier.arrive $0xFFFF  }
0x1ad: {  	_ =	shalt  }

</sc_bundles>
